<compile_context>
chip_gen: v7x
topology: tpu7x:2x2x1
jax: 0.10.2.dev20260603
libtpu: 0.0.44.dev20260713+nightly
codegen_flags: <defaults>
</compile_context>

<pallas_src>
import functools

import jax
import jax.numpy as jnp
from jax import lax
from jax.experimental import pallas as pl
from jax.experimental.pallas import tpu as pltpu
from jax.experimental.pallas import tpu_sc as plsc

D = 32
K = 1024
BT = 1024
N_TOK = 64 * 1024
GRID = N_TOK // BT
LOSS_SCALE = 1.25 / (N_TOK * D)


_ROW_BIAS = 0x3F800000


def _argmin_body(z_ref, cbm2_ref, c2_ref, idx_ref, loss_ref, acc_ref, rows_ref):
    @pl.when(pl.program_id(0) == 0)
    def _():
        r = lax.broadcasted_iota(jnp.int32, (K, BT), 0) + _ROW_BIAS
        rows_ref[...] = lax.bitcast_convert_type(r, jnp.float32)
        acc_ref[...] = jnp.zeros_like(acc_ref)

    z = z_ref[...]
    cbm2 = cbm2_ref[...]
    z2 = jnp.sum(z * z, axis=1, keepdims=True)
    m2zc_t = jnp.dot(cbm2, z.T, preferred_element_type=jnp.float32)
    dist_t = z2.T + m2zc_t + c2_ref[...]
    minval = jnp.min(dist_t, axis=0, keepdims=True)
    rf = jnp.min(jnp.where(dist_t == minval, rows_ref[...], 2.0), axis=0)
    idx_ref[...] = lax.bitcast_convert_type(rf, jnp.int32) - _ROW_BIAS

    acc_ref[...] += minval

    @pl.when(pl.program_id(0) == GRID - 1)
    def _():
        loss_ref[...] = jnp.sum(acc_ref[...]).reshape(1, 1) * LOSS_SCALE


def _tc_argmin(flat_z, cbm2, c2):
    return pl.pallas_call(
        _argmin_body,
        grid=(GRID,),
        in_specs=[
            pl.BlockSpec((BT, D), lambda i: (i, 0)),
            pl.BlockSpec((K, D), lambda i: (0, 0)),
            pl.BlockSpec((K, 1), lambda i: (0, 0)),
        ],
        out_specs=[
            pl.BlockSpec((BT,), lambda i: (i,)),
            pl.BlockSpec((1, 1), lambda i: (0, 0)),
        ],
        out_shape=[
            jax.ShapeDtypeStruct((N_TOK,), jnp.int32),
            jax.ShapeDtypeStruct((1, 1), jnp.float32),
        ],
        scratch_shapes=[
            pltpu.VMEM((1, BT), jnp.float32),
            pltpu.VMEM((K, BT), jnp.float32),
        ],
    )(flat_z, cbm2, c2)


_NC, _NS = 2, 16
NW = _NC * _NS
B_PER_W = N_TOK // NW
CHUNK = 128
N_CHUNK = B_PER_W // CHUNK

@functools.cache
def _make_sc_gather():
    mesh = plsc.VectorSubcoreMesh(
        core_axis_name="c", subcore_axis_name="s", num_cores=_NC, num_subcores=_NS
    )

    @functools.partial(
        pl.kernel,
        out_type=jax.ShapeDtypeStruct((N_TOK, D), jnp.float32),
        mesh=mesh,
        scratch_types=[
            pltpu.VMEM((B_PER_W,), jnp.int32),
            pltpu.VMEM((B_PER_W, D), jnp.float32),
            pltpu.SemaphoreType.DMA,
            pltpu.SemaphoreType.DMA,
        ],
        compiler_params=pltpu.CompilerParams(use_tc_tiling_on_sc=False),
    )
    def _sc_gather(cb_hbm, idx_hbm, out_hbm, idx_v, rows_v, sem, osem):
        wid = lax.axis_index("s") * _NC + lax.axis_index("c")
        base = wid * B_PER_W
        pltpu.sync_copy(idx_hbm.at[pl.ds(base, B_PER_W)], idx_v)
        copies = [
            pltpu.async_copy(
                cb_hbm.at[idx_v.at[pl.ds(j * CHUNK, CHUNK)]],
                rows_v.at[pl.ds(j * CHUNK, CHUNK)],
                sem,
            )
            for j in range(N_CHUNK)
        ]
        outs = []
        for j, c in enumerate(copies):
            c.wait()
            outs.append(
                pltpu.async_copy(
                    rows_v.at[pl.ds(j * CHUNK, CHUNK)],
                    out_hbm.at[pl.ds(base + j * CHUNK, CHUNK)],
                    osem,
                )
            )
        for o in outs:
            o.wait()

    return _sc_gather


def kernel(z, codebook):
    flat_z = z.reshape(N_TOK, D)
    c2 = jnp.sum(codebook**2, axis=1, keepdims=True)
    flat_idx, loss = _tc_argmin(flat_z, -2.0 * codebook, c2)
    z_q_flat = _make_sc_gather()(codebook, flat_idx)
    z_q = z_q_flat.reshape(z.shape)
    indices = flat_idx.reshape(z.shape[:-1])
    vq_loss = loss.reshape(())
    return (z_q, indices, vq_loss)

# --- scband reference (transcript-rebuilt; emitter-appended) ---
"""Pipeline reference for scband-vector-quantizer-54271206752615 (READ-ONLY COPY).

The authoritative reference and input builder live on the scoring server;
editing this copy changes nothing except your own understanding.
"""

import jax, jax.numpy as jnp
import numpy as np

EMBED_DIM = 32
CODEBOOK_SIZE = 1024
COMMITMENT_WEIGHT = 0.25

def setup_inputs(seed: int = 0) -> dict:
    key = jax.random.key(seed)
    k1, k2 = jax.random.split(key)
    z = jax.random.normal(k1, (64, 1024, EMBED_DIM), dtype=jnp.float32)
    codebook = jax.random.uniform(k2, (CODEBOOK_SIZE, EMBED_DIM), dtype=jnp.float32,
                                  minval=-1.0 / CODEBOOK_SIZE, maxval=1.0 / CODEBOOK_SIZE)
    return {"z": z, "codebook": codebook}

def reference(z, codebook):
    flat_z = z.reshape(-1, EMBED_DIM)
    distances = (jnp.sum(flat_z ** 2, axis=1, keepdims=True)
                 - 2.0 * flat_z @ codebook.T
                 + jnp.sum(codebook ** 2, axis=1, keepdims=True).T)
    indices = jnp.argmin(distances, axis=1)
    z_q_flat = jnp.take(codebook, indices, axis=0)
    commitment_loss = jnp.mean((flat_z - jax.lax.stop_gradient(z_q_flat)) ** 2)
    codebook_loss = jnp.mean((z_q_flat - jax.lax.stop_gradient(flat_z)) ** 2)
    vq_loss = codebook_loss + COMMITMENT_WEIGHT * commitment_loss
    z_q_flat = flat_z + jax.lax.stop_gradient(z_q_flat - flat_z)
    z_q = z_q_flat.reshape(z.shape)
    indices = indices.reshape(z.shape[:-1])
    return (z_q, indices, vq_loss)

if __name__ == "__main__":
    import jax
    _d = setup_inputs()
    print(jax.jit(kernel)(*tuple(_d.values())))

</pallas_src>

<mosaic_0001>
#map = affine_map<(d0, d1) -> (0, 0)>
#map1 = affine_map<(d0, d1) -> (0)>
module attributes {stable_mosaic.version = 14 : i64} {
  func.func @_sc_gather(%arg0: i32, %arg1: i32, %arg2: memref<1024x32xf32, #tpu.memory_space<hbm>>, %arg3: memref<65536xi32, #tpu.memory_space<hbm>>, %arg4: memref<65536x32xf32, #tpu.memory_space<hbm>>, %arg5: memref<2048xi32, #tpu.memory_space<vmem>>, %arg6: memref<2048x32xf32, #tpu.memory_space<vmem>>, %arg7: memref<!tpu.dma_semaphore, #tpu.memory_space<semaphore_mem>>, %arg8: memref<!tpu.dma_semaphore, #tpu.memory_space<semaphore_mem>>) attributes {dimension_semantics = [#tpu.dimension_semantics<core_parallel>, #tpu.dimension_semantics<subcore_parallel>], iteration_bounds = array<i64: 2, 16>, scalar_prefetch = 0 : i64, scratch_operands = 4 : i64, tpu.core_type = #tpu.core_type<sc_vector_subcore>, window_params = [{transform_indices = #map}, {transform_indices = #map1}, {transform_indices = #map}]} {
    %mul3A = arith.constant 2 : i32
    %mul3A_0 = arith.muli %arg1, %mul3A : i32
    %add3A = arith.addi %mul3A_0, %arg0 : i32
    %mul3A_1 = arith.constant 2048 : i32
    %mul3A_2 = arith.muli %add3A, %mul3A_1 : i32
    "tpu.region"() ({
      %run_scoped3A = tpu.sem_alloc : memref<!tpu.dma_semaphore, #tpu.memory_space<semaphore_mem>>
      %dma_start3A_609 = tpu.memref_slice %arg3[%mul3A_2] : memref<65536xi32, #tpu.memory_space<hbm>> -> memref<2048xi32, #tpu.memory_space<hbm>>
      %dma_start3A_610 = tpu.memref_slice %arg3[%mul3A_2] : memref<65536xi32, #tpu.memory_space<hbm>> -> memref<2048xi32, #tpu.memory_space<hbm>>
      tpu.enqueue_dma source(%dma_start3A_610 : memref<2048xi32, #tpu.memory_space<hbm>>) target(%arg5 : memref<2048xi32, #tpu.memory_space<vmem>>) target_semaphore(%run_scoped3A : memref<!tpu.dma_semaphore, #tpu.memory_space<semaphore_mem>>)
      %dma_wait3A_611 = tpu.memref_slice %arg3[%mul3A_2] : memref<65536xi32, #tpu.memory_space<hbm>> -> memref<2048xi32, #tpu.memory_space<hbm>>
      %dma_wait3A_612 = tpu.memref_slice %arg3[%mul3A_2] : memref<65536xi32, #tpu.memory_space<hbm>> -> memref<2048xi32, #tpu.memory_space<hbm>>
      tpu.wait_dma2 semaphore(%run_scoped3A : memref<!tpu.dma_semaphore, #tpu.memory_space<semaphore_mem>>) src(%dma_wait3A_612 : memref<2048xi32, #tpu.memory_space<hbm>>) dst(%arg5 : memref<2048xi32, #tpu.memory_space<vmem>>)
      tpu.yield
    }) : () -> ()
    %dma_start3A = arith.constant 0 : i32
    %dma_start3A_3 = arith.constant 0 : i32
    %dma_start3A_4 = tpu.memref_slice %arg6[%dma_start3A, %dma_start3A_3] : memref<2048x32xf32, #tpu.memory_space<vmem>> -> memref<128x32xf32, #tpu.memory_space<vmem>>
    %dma_start3A_5 = arith.constant 0 : i32
    %dma_start3A_6 = tpu.memref_slice %arg5[%dma_start3A_5] : memref<2048xi32, #tpu.memory_space<vmem>> -> memref<128xi32, #tpu.memory_space<vmem>>
    %dma_start3A_7 = arith.constant 0 : i32
    %dma_start3A_8 = arith.constant 0 : i32
    %dma_start3A_9 = tpu.memref_slice %arg2[%dma_start3A_7, %dma_start3A_8] : memref<1024x32xf32, #tpu.memory_space<hbm>> -> memref<1024x32xf32, #tpu.memory_space<hbm>>
    tpu.enqueue_indirect_dma source(%dma_start3A_9 : memref<1024x32xf32, #tpu.memory_space<hbm>>) target(%dma_start3A_4 : memref<128x32xf32, #tpu.memory_space<vmem>>) offsets(%dma_start3A_6 : memref<128xi32, #tpu.memory_space<vmem>>) semaphore(%arg7 : memref<!tpu.dma_semaphore, #tpu.memory_space<semaphore_mem>>)
    %dma_start3A_10 = arith.constant 128 : i32
    %dma_start3A_11 = arith.constant 0 : i32
    %dma_start3A_12 = tpu.memref_slice %arg6[%dma_start3A_10, %dma_start3A_11] : memref<2048x32xf32, #tpu.memory_space<vmem>> -> memref<128x32xf32, #tpu.memory_space<vmem>>
    %dma_start3A_13 = arith.constant 128 : i32
    %dma_start3A_14 = tpu.memref_slice %arg5[%dma_start3A_13] : memref<2048xi32, #tpu.memory_space<vmem>> -> memref<128xi32, #tpu.memory_space<vmem>>
    %dma_start3A_15 = arith.constant 0 : i32
    %dma_start3A_16 = arith.constant 0 : i32
    %dma_start3A_17 = tpu.memref_slice %arg2[%dma_start3A_15, %dma_start3A_16] : memref<1024x32xf32, #tpu.memory_space<hbm>> -> memref<1024x32xf32, #tpu.memory_space<hbm>>
    tpu.enqueue_indirect_dma source(%dma_start3A_17 : memref<1024x32xf32, #tpu.memory_space<hbm>>) target(%dma_start3A_12 : memref<128x32xf32, #tpu.memory_space<vmem>>) offsets(%dma_start3A_14 : memref<128xi32, #tpu.memory_space<vmem>>) semaphore(%arg7 : memref<!tpu.dma_semaphore, #tpu.memory_space<semaphore_mem>>)
    %dma_start3A_18 = arith.constant 256 : i32
    %dma_start3A_19 = arith.constant 0 : i32
    %dma_start3A_20 = tpu.memref_slice %arg6[%dma_start3A_18, %dma_start3A_19] : memref<2048x32xf32, #tpu.memory_space<vmem>> -> memref<128x32xf32, #tpu.memory_space<vmem>>
    %dma_start3A_21 = arith.constant 256 : i32
    %dma_start3A_22 = tpu.memref_slice %arg5[%dma_start3A_21] : memref<2048xi32, #tpu.memory_space<vmem>> -> memref<128xi32, #tpu.memory_space<vmem>>
    %dma_start3A_23 = arith.constant 0 : i32
    %dma_start3A_24 = arith.constant 0 : i32
    %dma_start3A_25 = tpu.memref_slice %arg2[%dma_start3A_23, %dma_start3A_24] : memref<1024x32xf32, #tpu.memory_space<hbm>> -> memref<1024x32xf32, #tpu.memory_space<hbm>>
    tpu.enqueue_indirect_dma source(%dma_start3A_25 : memref<1024x32xf32, #tpu.memory_space<hbm>>) target(%dma_start3A_20 : memref<128x32xf32, #tpu.memory_space<vmem>>) offsets(%dma_start3A_22 : memref<128xi32, #tpu.memory_space<vmem>>) semaphore(%arg7 : memref<!tpu.dma_semaphore, #tpu.memory_space<semaphore_mem>>)
    %dma_start3A_26 = arith.constant 384 : i32
    %dma_start3A_27 = arith.constant 0 : i32
    %dma_start3A_28 = tpu.memref_slice %arg6[%dma_start3A_26, %dma_start3A_27] : memref<2048x32xf32, #tpu.memory_space<vmem>> -> memref<128x32xf32, #tpu.memory_space<vmem>>
    %dma_start3A_29 = arith.constant 384 : i32
    %dma_start3A_30 = tpu.memref_slice %arg5[%dma_start3A_29] : memref<2048xi32, #tpu.memory_space<vmem>> -> memref<128xi32, #tpu.memory_space<vmem>>
    %dma_start3A_31 = arith.constant 0 : i32
    %dma_start3A_32 = arith.constant 0 : i32
    %dma_start3A_33 = tpu.memref_slice %arg2[%dma_start3A_31, %dma_start3A_32] : memref<1024x32xf32, #tpu.memory_space<hbm>> -> memref<1024x32xf32, #tpu.memory_space<hbm>>
    tpu.enqueue_indirect_dma source(%dma_start3A_33 : memref<1024x32xf32, #tpu.memory_space<hbm>>) target(%dma_start3A_28 : memref<128x32xf32, #tpu.memory_space<vmem>>) offsets(%dma_start3A_30 : memref<128xi32, #tpu.memory_space<vmem>>) semaphore(%arg7 : memref<!tpu.dma_semaphore, #tpu.memory_space<semaphore_mem>>)
    %dma_start3A_34 = arith.constant 512 : i32
    %dma_start3A_35 = arith.constant 0 : i32
    %dma_start3A_36 = tpu.memref_slice %arg6[%dma_start3A_34, %dma_start3A_35] : memref<2048x32xf32, #tpu.memory_space<vmem>> -> memref<128x32xf32, #tpu.memory_space<vmem>>
    %dma_start3A_37 = arith.constant 512 : i32
    %dma_start3A_38 = tpu.memref_slice %arg5[%dma_start3A_37] : memref<2048xi32, #tpu.memory_space<vmem>> -> memref<128xi32, #tpu.memory_space<vmem>>
    %dma_start3A_39 = arith.constant 0 : i32
    %dma_start3A_40 = arith.constant 0 : i32
    %dma_start3A_41 = tpu.memref_slice %arg2[%dma_start3A_39, %dma_start3A_40] : memref<1024x32xf32, #tpu.memory_space<hbm>> -> memref<1024x32xf32, #tpu.memory_space<hbm>>
    tpu.enqueue_indirect_dma source(%dma_start3A_41 : memref<1024x32xf32, #tpu.memory_space<hbm>>) target(%dma_start3A_36 : memref<128x32xf32, #tpu.memory_space<vmem>>) offsets(%dma_start3A_38 : memref<128xi32, #tpu.memory_space<vmem>>) semaphore(%arg7 : memref<!tpu.dma_semaphore, #tpu.memory_space<semaphore_mem>>)
    %dma_start3A_42 = arith.constant 640 : i32
    %dma_start3A_43 = arith.constant 0 : i32
    %dma_start3A_44 = tpu.memref_slice %arg6[%dma_start3A_42, %dma_start3A_43] : memref<2048x32xf32, #tpu.memory_space<vmem>> -> memref<128x32xf32, #tpu.memory_space<vmem>>
    %dma_start3A_45 = arith.constant 640 : i32
    %dma_start3A_46 = tpu.memref_slice %arg5[%dma_start3A_45] : memref<2048xi32, #tpu.memory_space<vmem>> -> memref<128xi32, #tpu.memory_space<vmem>>
    %dma_start3A_47 = arith.constant 0 : i32
    %dma_start3A_48 = arith.constant 0 : i32
    %dma_start3A_49 = tpu.memref_slice %arg2[%dma_start3A_47, %dma_start3A_48] : memref<1024x32xf32, #tpu.memory_space<hbm>> -> memref<1024x32xf32, #tpu.memory_space<hbm>>
    tpu.enqueue_indirect_dma source(%dma_start3A_49 : memref<1024x32xf32, #tpu.memory_space<hbm>>) target(%dma_start3A_44 : memref<128x32xf32, #tpu.memory_space<vmem>>) offsets(%dma_start3A_46 : memref<128xi32, #tpu.memory_space<vmem>>) semaphore(%arg7 : memref<!tpu.dma_semaphore, #tpu.memory_space<semaphore_mem>>)
    %dma_start3A_50 = arith.constant 768 : i32
    %dma_start3A_51 = arith.constant 0 : i32
    %dma_start3A_52 = tpu.memref_slice %arg6[%dma_start3A_50, %dma_start3A_51] : memref<2048x32xf32, #tpu.memory_space<vmem>> -> memref<128x32xf32, #tpu.memory_space<vmem>>
    %dma_start3A_53 = arith.constant 768 : i32
    %dma_start3A_54 = tpu.memref_slice %arg5[%dma_start3A_53] : memref<2048xi32, #tpu.memory_space<vmem>> -> memref<128xi32, #tpu.memory_space<vmem>>
    %dma_start3A_55 = arith.constant 0 : i32
    %dma_start3A_56 = arith.constant 0 : i32
    %dma_start3A_57 = tpu.memref_slice %arg2[%dma_start3A_55, %dma_start3A_56] : memref<1024x32xf32, #tpu.memory_space<hbm>> -> memref<1024x32xf32, #tpu.memory_space<hbm>>
    tpu.enqueue_indirect_dma source(%dma_start3A_57 : memref<1024x32xf32, #tpu.memory_space<hbm>>) target(%dma_start3A_52 : memref<128x32xf32, #tpu.memory_space<vmem>>) offsets(%dma_start3A_54 : memref<128xi32, #tpu.memory_space<vmem>>) semaphore(%arg7 : memref<!tpu.dma_semaphore, #tpu.memory_space<semaphore_mem>>)
    %dma_start3A_58 = arith.constant 896 : i32
    %dma_start3A_59 = arith.constant 0 : i32
    %dma_start3A_60 = tpu.memref_slice %arg6[%dma_start3A_58, %dma_start3A_59] : memref<2048x32xf32, #tpu.memory_space<vmem>> -> memref<128x32xf32, #tpu.memory_space<vmem>>
    %dma_start3A_61 = arith.constant 896 : i32
    %dma_start3A_62 = tpu.memref_slice %arg5[%dma_start3A_61] : memref<2048xi32, #tpu.memory_space<vmem>> -> memref<128xi32, #tpu.memory_space<vmem>>
    %dma_start3A_63 = arith.constant 0 : i32
    %dma_start3A_64 = arith.constant 0 : i32
    %dma_start3A_65 = tpu.memref_slice %arg2[%dma_start3A_63, %dma_start3A_64] : memref<1024x32xf32, #tpu.memory_space<hbm>> -> memref<1024x32xf32, #tpu.memory_space<hbm>>
    tpu.enqueue_indirect_dma source(%dma_start3A_65 : memref<1024x32xf32, #tpu.memory_space<hbm>>) target(%dma_start3A_60 : memref<128x32xf32, #tpu.memory_space<vmem>>) offsets(%dma_start3A_62 : memref<128xi32, #tpu.memory_space<vmem>>) semaphore(%arg7 : memref<!tpu.dma_semaphore, #tpu.memory_space<semaphore_mem>>)
    %dma_start3A_66 = arith.constant 1024 : i32
    %dma_start3A_67 = arith.constant 0 : i32
    %dma_start3A_68 = tpu.memref_slice %arg6[%dma_start3A_66, %dma_start3A_67] : memref<2048x32xf32, #tpu.memory_space<vmem>> -> memref<128x32xf32, #tpu.memory_space<vmem>>
    %dma_start3A_69 = arith.constant 1024 : i32
    %dma_start3A_70 = tpu.memref_slice %arg5[%dma_start3A_69] : memref<2048xi32, #tpu.memory_space<vmem>> -> memref<128xi32, #tpu.memory_space<vmem>>
    %dma_start3A_71 = arith.constant 0 : i32
    %dma_start3A_72 = arith.constant 0 : i32
    %dma_start3A_73 = tpu.memref_slice %arg2[%dma_start3A_71, %dma_start3A_72] : memref<1024x32xf32, #tpu.memory_space<hbm>> -> memref<1024x32xf32, #tpu.memory_space<hbm>>
    tpu.enqueue_indirect_dma source(%dma_start3A_73 : memref<1024x32xf32, #tpu.memory_space<hbm>>) target(%dma_start3A_68 : memref<128x32xf32, #tpu.memory_space<vmem>>) offsets(%dma_start3A_70 : memref<128xi32, #tpu.memory_space<vmem>>) semaphore(%arg7 : memref<!tpu.dma_semaphore, #tpu.memory_space<semaphore_mem>>)
    %dma_start3A_74 = arith.constant 1152 : i32
    %dma_start3A_75 = arith.constant 0 : i32
    %dma_start3A_76 = tpu.memref_slice %arg6[%dma_start3A_74, %dma_start3A_75] : memref<2048x32xf32, #tpu.memory_space<vmem>> -> memref<128x32xf32, #tpu.memory_space<vmem>>
    %dma_start3A_77 = arith.constant 1152 : i32
    %dma_start3A_78 = tpu.memref_slice %arg5[%dma_start3A_77] : memref<2048xi32, #tpu.memory_space<vmem>> -> memref<128xi32, #tpu.memory_space<vmem>>
    %dma_start3A_79 = arith.constant 0 : i32
    %dma_start3A_80 = arith.constant 0 : i32
    %dma_start3A_81 = tpu.memref_slice %arg2[%dma_start3A_79, %dma_start3A_80] : memref<1024x32xf32, #tpu.memory_space<hbm>> -> memref<1024x32xf32, #tpu.memory_space<hbm>>
    tpu.enqueue_indirect_dma source(%dma_start3A_81 : memref<1024x32xf32, #tpu.memory_space<hbm>>) target(%dma_start3A_76 : memref<128x32xf32, #tpu.memory_space<vmem>>) offsets(%dma_start3A_78 : memref<128xi32, #tpu.memory_space<vmem>>) semaphore(%arg7 : memref<!tpu.dma_semaphore, #tpu.memory_space<semaphore_mem>>)
    %dma_start3A_82 = arith.constant 1280 : i32
    %dma_start3A_83 = arith.constant 0 : i32
    %dma_start3A_84 = tpu.memref_slice %arg6[%dma_start3A_82, %dma_start3A_83] : memref<2048x32xf32, #tpu.memory_space<vmem>> -> memref<128x32xf32, #tpu.memory_space<vmem>>
    %dma_start3A_85 = arith.constant 1280 : i32
    %dma_start3A_86 = tpu.memref_slice %arg5[%dma_start3A_85] : memref<2048xi32, #tpu.memory_space<vmem>> -> memref<128xi32, #tpu.memory_space<vmem>>
    %dma_start3A_87 = arith.constant 0 : i32
    %dma_start3A_88 = arith.constant 0 : i32
    %dma_start3A_89 = tpu.memref_slice %arg2[%dma_start3A_87, %dma_start3A_88] : memref<1024x32xf32, #tpu.memory_space<hbm>> -> memref<1024x32xf32, #tpu.memory_space<hbm>>
    tpu.enqueue_indirect_dma source(%dma_start3A_89 : memref<1024x32xf32, #tpu.memory_space<hbm>>) target(%dma_start3A_84 : memref<128x32xf32, #tpu.memory_space<vmem>>) offsets(%dma_start3A_86 : memref<128xi32, #tpu.memory_space<vmem>>) semaphore(%arg7 : memref<!tpu.dma_semaphore, #tpu.memory_space<semaphore_mem>>)
    %dma_start3A_90 = arith.constant 1408 : i32
    %dma_start3A_91 = arith.constant 0 : i32
    %dma_start3A_92 = tpu.memref_slice %arg6[%dma_start3A_90, %dma_start3A_91] : memref<2048x32xf32, #tpu.memory_space<vmem>> -> memref<128x32xf32, #tpu.memory_space<vmem>>
    %dma_start3A_93 = arith.constant 1408 : i32
    %dma_start3A_94 = tpu.memref_slice %arg5[%dma_start3A_93] : memref<2048xi32, #tpu.memory_space<vmem>> -> memref<128xi32, #tpu.memory_space<vmem>>
    %dma_start3A_95 = arith.constant 0 : i32
    %dma_start3A_96 = arith.constant 0 : i32
    %dma_start3A_97 = tpu.memref_slice %arg2[%dma_start3A_95, %dma_start3A_96] : memref<1024x32xf32, #tpu.memory_space<hbm>> -> memref<1024x32xf32, #tpu.memory_space<hbm>>
    tpu.enqueue_indirect_dma source(%dma_start3A_97 : memref<1024x32xf32, #tpu.memory_space<hbm>>) target(%dma_start3A_92 : memref<128x32xf32, #tpu.memory_space<vmem>>) offsets(%dma_start3A_94 : memref<128xi32, #tpu.memory_space<vmem>>) semaphore(%arg7 : memref<!tpu.dma_semaphore, #tpu.memory_space<semaphore_mem>>)
    %dma_start3A_98 = arith.constant 1536 : i32
    %dma_start3A_99 = arith.constant 0 : i32
    %dma_start3A_100 = tpu.memref_slice %arg6[%dma_start3A_98, %dma_start3A_99] : memref<2048x32xf32, #tpu.memory_space<vmem>> -> memref<128x32xf32, #tpu.memory_space<vmem>>
    %dma_start3A_101 = arith.constant 1536 : i32
    %dma_start3A_102 = tpu.memref_slice %arg5[%dma_start3A_101] : memref<2048xi32, #tpu.memory_space<vmem>> -> memref<128xi32, #tpu.memory_space<vmem>>
    %dma_start3A_103 = arith.constant 0 : i32
    %dma_start3A_104 = arith.constant 0 : i32
    %dma_start3A_105 = tpu.memref_slice %arg2[%dma_start3A_103, %dma_start3A_104] : memref<1024x32xf32, #tpu.memory_space<hbm>> -> memref<1024x32xf32, #tpu.memory_space<hbm>>
    tpu.enqueue_indirect_dma source(%dma_start3A_105 : memref<1024x32xf32, #tpu.memory_space<hbm>>) target(%dma_start3A_100 : memref<128x32xf32, #tpu.memory_space<vmem>>) offsets(%dma_start3A_102 : memref<128xi32, #tpu.memory_space<vmem>>) semaphore(%arg7 : memref<!tpu.dma_semaphore, #tpu.memory_space<semaphore_mem>>)
    %dma_start3A_106 = arith.constant 1664 : i32
    %dma_start3A_107 = arith.constant 0 : i32
    %dma_start3A_108 = tpu.memref_slice %arg6[%dma_start3A_106, %dma_start3A_107] : memref<2048x32xf32, #tpu.memory_space<vmem>> -> memref<128x32xf32, #tpu.memory_space<vmem>>
    %dma_start3A_109 = arith.constant 1664 : i32
    %dma_start3A_110 = tpu.memref_slice %arg5[%dma_start3A_109] : memref<2048xi32, #tpu.memory_space<vmem>> -> memref<128xi32, #tpu.memory_space<vmem>>
    %dma_start3A_111 = arith.constant 0 : i32
    %dma_start3A_112 = arith.constant 0 : i32
    %dma_start3A_113 = tpu.memref_slice %arg2[%dma_start3A_111, %dma_start3A_112] : memref<1024x32xf32, #tpu.memory_space<hbm>> -> memref<1024x32xf32, #tpu.memory_space<hbm>>
    tpu.enqueue_indirect_dma source(%dma_start3A_113 : memref<1024x32xf32, #tpu.memory_space<hbm>>) target(%dma_start3A_108 : memref<128x32xf32, #tpu.memory_space<vmem>>) offsets(%dma_start3A_110 : memref<128xi32, #tpu.memory_space<vmem>>) semaphore(%arg7 : memref<!tpu.dma_semaphore, #tpu.memory_space<semaphore_mem>>)
    %dma_start3A_114 = arith.constant 1792 : i32
    %dma_start3A_115 = arith.constant 0 : i32
    %dma_start3A_116 = tpu.memref_slice %arg6[%dma_start3A_114, %dma_start3A_115] : memref<2048x32xf32, #tpu.memory_space<vmem>> -> memref<128x32xf32, #tpu.memory_space<vmem>>
    %dma_start3A_117 = arith.constant 1792 : i32
    %dma_start3A_118 = tpu.memref_slice %arg5[%dma_start3A_117] : memref<2048xi32, #tpu.memory_space<vmem>> -> memref<128xi32, #tpu.memory_space<vmem>>
    %dma_start3A_119 = arith.constant 0 : i32
    %dma_start3A_120 = arith.constant 0 : i32
    %dma_start3A_121 = tpu.memref_slice %arg2[%dma_start3A_119, %dma_start3A_120] : memref<1024x32xf32, #tpu.memory_space<hbm>> -> memref<1024x32xf32, #tpu.memory_space<hbm>>
    tpu.enqueue_indirect_dma source(%dma_start3A_121 : memref<1024x32xf32, #tpu.memory_space<hbm>>) target(%dma_start3A_116 : memref<128x32xf32, #tpu.memory_space<vmem>>) offsets(%dma_start3A_118 : memref<128xi32, #tpu.memory_space<vmem>>) semaphore(%arg7 : memref<!tpu.dma_semaphore, #tpu.memory_space<semaphore_mem>>)
    %dma_start3A_122 = arith.constant 1920 : i32
    %dma_start3A_123 = arith.constant 0 : i32
    %dma_start3A_124 = tpu.memref_slice %arg6[%dma_start3A_122, %dma_start3A_123] : memref<2048x32xf32, #tpu.memory_space<vmem>> -> memref<128x32xf32, #tpu.memory_space<vmem>>
    %dma_start3A_125 = arith.constant 1920 : i32
    %dma_start3A_126 = tpu.memref_slice %arg5[%dma_start3A_125] : memref<2048xi32, #tpu.memory_space<vmem>> -> memref<128xi32, #tpu.memory_space<vmem>>
    %dma_start3A_127 = arith.constant 0 : i32
    %dma_start3A_128 = arith.constant 0 : i32
    %dma_start3A_129 = tpu.memref_slice %arg2[%dma_start3A_127, %dma_start3A_128] : memref<1024x32xf32, #tpu.memory_space<hbm>> -> memref<1024x32xf32, #tpu.memory_space<hbm>>
    tpu.enqueue_indirect_dma source(%dma_start3A_129 : memref<1024x32xf32, #tpu.memory_space<hbm>>) target(%dma_start3A_124 : memref<128x32xf32, #tpu.memory_space<vmem>>) offsets(%dma_start3A_126 : memref<128xi32, #tpu.memory_space<vmem>>) semaphore(%arg7 : memref<!tpu.dma_semaphore, #tpu.memory_space<semaphore_mem>>)
    %dma_wait3A = arith.constant 0 : i32
    %dma_wait3A_130 = arith.constant 0 : i32
    %dma_wait3A_131 = tpu.memref_slice %arg6[%dma_wait3A, %dma_wait3A_130] : memref<2048x32xf32, #tpu.memory_space<vmem>> -> memref<128x32xf32, #tpu.memory_space<vmem>>
    %dma_wait3A_132 = arith.constant 0 : i32
    %dma_wait3A_133 = tpu.memref_slice %arg5[%dma_wait3A_132] : memref<2048xi32, #tpu.memory_space<vmem>> -> memref<128xi32, #tpu.memory_space<vmem>>
    %dma_wait3A_134 = arith.constant 0 : i32
    %dma_wait3A_135 = arith.constant 0 : i32
    %dma_wait3A_136 = tpu.memref_slice %arg2[%dma_wait3A_134, %dma_wait3A_135] : memref<1024x32xf32, #tpu.memory_space<hbm>> -> memref<1024x32xf32, #tpu.memory_space<hbm>>
    tpu.wait_indirect_dma semaphore(%arg7 : memref<!tpu.dma_semaphore, #tpu.memory_space<semaphore_mem>>) src(%dma_wait3A_136 : memref<1024x32xf32, #tpu.memory_space<hbm>>) dst(%dma_wait3A_131 : memref<128x32xf32, #tpu.memory_space<vmem>>)
    %add3A_137 = arith.constant 0 : i32
    %add3A_138 = arith.addi %mul3A_2, %add3A_137 : i32
    %dma_start3A_139 = arith.constant 0 : i32
    %dma_start3A_140 = arith.constant 0 : i32
    %dma_start3A_141 = tpu.memref_slice %arg6[%dma_start3A_139, %dma_start3A_140] : memref<2048x32xf32, #tpu.memory_space<vmem>> -> memref<128x32xf32, #tpu.memory_space<vmem>>
    %dma_start3A_142 = arith.constant 0 : i32
    %dma_start3A_143 = tpu.memref_slice %arg4[%add3A_138, %dma_start3A_142] : memref<65536x32xf32, #tpu.memory_space<hbm>> -> memref<128x32xf32, #tpu.memory_space<hbm>>
    %dma_start3A_144 = arith.constant 0 : i32
    %dma_start3A_145 = tpu.memref_slice %arg4[%add3A_138, %dma_start3A_144] : memref<65536x32xf32, #tpu.memory_space<hbm>> -> memref<128x32xf32, #tpu.memory_space<hbm>>
    %dma_start3A_146 = arith.constant 0 : i32
    %dma_start3A_147 = arith.constant 0 : i32
    %dma_start3A_148 = tpu.memref_slice %arg6[%dma_start3A_146, %dma_start3A_147] : memref<2048x32xf32, #tpu.memory_space<vmem>> -> memref<128x32xf32, #tpu.memory_space<vmem>>
    tpu.enqueue_dma source(%dma_start3A_148 : memref<128x32xf32, #tpu.memory_space<vmem>>) target(%dma_start3A_145 : memref<128x32xf32, #tpu.memory_space<hbm>>) target_semaphore(%arg8 : memref<!tpu.dma_semaphore, #tpu.memory_space<semaphore_mem>>)
    %dma_wait3A_149 = arith.constant 128 : i32
    %dma_wait3A_150 = arith.constant 0 : i32
    %dma_wait3A_151 = tpu.memref_slice %arg6[%dma_wait3A_149, %dma_wait3A_150] : memref<2048x32xf32, #tpu.memory_space<vmem>> -> memref<128x32xf32, #tpu.memory_space<vmem>>
    %dma_wait3A_152 = arith.constant 128 : i32
    %dma_wait3A_153 = tpu.memref_slice %arg5[%dma_wait3A_152] : memref<2048xi32, #tpu.memory_space<vmem>> -> memref<128xi32, #tpu.memory_space<vmem>>
    %dma_wait3A_154 = arith.constant 0 : i32
    %dma_wait3A_155 = arith.constant 0 : i32
    %dma_wait3A_156 = tpu.memref_slice %arg2[%dma_wait3A_154, %dma_wait3A_155] : memref<1024x32xf32, #tpu.memory_space<hbm>> -> memref<1024x32xf32, #tpu.memory_space<hbm>>
    tpu.wait_indirect_dma semaphore(%arg7 : memref<!tpu.dma_semaphore, #tpu.memory_space<semaphore_mem>>) src(%dma_wait3A_156 : memref<1024x32xf32, #tpu.memory_space<hbm>>) dst(%dma_wait3A_151 : memref<128x32xf32, #tpu.memory_space<vmem>>)
    %add3A_157 = arith.constant 128 : i32
    %add3A_158 = arith.addi %mul3A_2, %add3A_157 : i32
    %dma_start3A_159 = arith.constant 128 : i32
    %dma_start3A_160 = arith.constant 0 : i32
    %dma_start3A_161 = tpu.memref_slice %arg6[%dma_start3A_159, %dma_start3A_160] : memref<2048x32xf32, #tpu.memory_space<vmem>> -> memref<128x32xf32, #tpu.memory_space<vmem>>
    %dma_start3A_162 = arith.constant 0 : i32
    %dma_start3A_163 = tpu.memref_slice %arg4[%add3A_158, %dma_start3A_162] : memref<65536x32xf32, #tpu.memory_space<hbm>> -> memref<128x32xf32, #tpu.memory_space<hbm>>
    %dma_start3A_164 = arith.constant 0 : i32
    %dma_start3A_165 = tpu.memref_slice %arg4[%add3A_158, %dma_start3A_164] : memref<65536x32xf32, #tpu.memory_space<hbm>> -> memref<128x32xf32, #tpu.memory_space<hbm>>
    %dma_start3A_166 = arith.constant 128 : i32
    %dma_start3A_167 = arith.constant 0 : i32
    %dma_start3A_168 = tpu.memref_slice %arg6[%dma_start3A_166, %dma_start3A_167] : memref<2048x32xf32, #tpu.memory_space<vmem>> -> memref<128x32xf32, #tpu.memory_space<vmem>>
    tpu.enqueue_dma source(%dma_start3A_168 : memref<128x32xf32, #tpu.memory_space<vmem>>) target(%dma_start3A_165 : memref<128x32xf32, #tpu.memory_space<hbm>>) target_semaphore(%arg8 : memref<!tpu.dma_semaphore, #tpu.memory_space<semaphore_mem>>)
    %dma_wait3A_169 = arith.constant 256 : i32
    %dma_wait3A_170 = arith.constant 0 : i32
    %dma_wait3A_171 = tpu.memref_slice %arg6[%dma_wait3A_169, %dma_wait3A_170] : memref<2048x32xf32, #tpu.memory_space<vmem>> -> memref<128x32xf32, #tpu.memory_space<vmem>>
    %dma_wait3A_172 = arith.constant 256 : i32
    %dma_wait3A_173 = tpu.memref_slice %arg5[%dma_wait3A_172] : memref<2048xi32, #tpu.memory_space<vmem>> -> memref<128xi32, #tpu.memory_space<vmem>>
    %dma_wait3A_174 = arith.constant 0 : i32
    %dma_wait3A_175 = arith.constant 0 : i32
    %dma_wait3A_176 = tpu.memref_slice %arg2[%dma_wait3A_174, %dma_wait3A_175] : memref<1024x32xf32, #tpu.memory_space<hbm>> -> memref<1024x32xf32, #tpu.memory_space<hbm>>
    tpu.wait_indirect_dma semaphore(%arg7 : memref<!tpu.dma_semaphore, #tpu.memory_space<semaphore_mem>>) src(%dma_wait3A_176 : memref<1024x32xf32, #tpu.memory_space<hbm>>) dst(%dma_wait3A_171 : memref<128x32xf32, #tpu.memory_space<vmem>>)
    %add3A_177 = arith.constant 256 : i32
    %add3A_178 = arith.addi %mul3A_2, %add3A_177 : i32
    %dma_start3A_179 = arith.constant 256 : i32
    %dma_start3A_180 = arith.constant 0 : i32
    %dma_start3A_181 = tpu.memref_slice %arg6[%dma_start3A_179, %dma_start3A_180] : memref<2048x32xf32, #tpu.memory_space<vmem>> -> memref<128x32xf32, #tpu.memory_space<vmem>>
    %dma_start3A_182 = arith.constant 0 : i32
    %dma_start3A_183 = tpu.memref_slice %arg4[%add3A_178, %dma_start3A_182] : memref<65536x32xf32, #tpu.memory_space<hbm>> -> memref<128x32xf32, #tpu.memory_space<hbm>>
    %dma_start3A_184 = arith.constant 0 : i32
    %dma_start3A_185 = tpu.memref_slice %arg4[%add3A_178, %dma_start3A_184] : memref<65536x32xf32, #tpu.memory_space<hbm>> -> memref<128x32xf32, #tpu.memory_space<hbm>>
    %dma_start3A_186 = arith.constant 256 : i32
    %dma_start3A_187 = arith.constant 0 : i32
    %dma_start3A_188 = tpu.memref_slice %arg6[%dma_start3A_186, %dma_start3A_187] : memref<2048x32xf32, #tpu.memory_space<vmem>> -> memref<128x32xf32, #tpu.memory_space<vmem>>
    tpu.enqueue_dma source(%dma_start3A_188 : memref<128x32xf32, #tpu.memory_space<vmem>>) target(%dma_start3A_185 : memref<128x32xf32, #tpu.memory_space<hbm>>) target_semaphore(%arg8 : memref<!tpu.dma_semaphore, #tpu.memory_space<semaphore_mem>>)
    %dma_wait3A_189 = arith.constant 384 : i32
    %dma_wait3A_190 = arith.constant 0 : i32
    %dma_wait3A_191 = tpu.memref_slice %arg6[%dma_wait3A_189, %dma_wait3A_190] : memref<2048x32xf32, #tpu.memory_space<vmem>> -> memref<128x32xf32, #tpu.memory_space<vmem>>
    %dma_wait3A_192 = arith.constant 384 : i32
    %dma_wait3A_193 = tpu.memref_slice %arg5[%dma_wait3A_192] : memref<2048xi32, #tpu.memory_space<vmem>> -> memref<128xi32, #tpu.memory_space<vmem>>
    %dma_wait3A_194 = arith.constant 0 : i32
    %dma_wait3A_195 = arith.constant 0 : i32
    %dma_wait3A_196 = tpu.memref_slice %arg2[%dma_wait3A_194, %dma_wait3A_195] : memref<1024x32xf32, #tpu.memory_space<hbm>> -> memref<1024x32xf32, #tpu.memory_space<hbm>>
    tpu.wait_indirect_dma semaphore(%arg7 : memref<!tpu.dma_semaphore, #tpu.memory_space<semaphore_mem>>) src(%dma_wait3A_196 : memref<1024x32xf32, #tpu.memory_space<hbm>>) dst(%dma_wait3A_191 : memref<128x32xf32, #tpu.memory_space<vmem>>)
    %add3A_197 = arith.constant 384 : i32
    %add3A_198 = arith.addi %mul3A_2, %add3A_197 : i32
    %dma_start3A_199 = arith.constant 384 : i32
    %dma_start3A_200 = arith.constant 0 : i32
    %dma_start3A_201 = tpu.memref_slice %arg6[%dma_start3A_199, %dma_start3A_200] : memref<2048x32xf32, #tpu.memory_space<vmem>> -> memref<128x32xf32, #tpu.memory_space<vmem>>
    %dma_start3A_202 = arith.constant 0 : i32
    %dma_start3A_203 = tpu.memref_slice %arg4[%add3A_198, %dma_start3A_202] : memref<65536x32xf32, #tpu.memory_space<hbm>> -> memref<128x32xf32, #tpu.memory_space<hbm>>
    %dma_start3A_204 = arith.constant 0 : i32
    %dma_start3A_205 = tpu.memref_slice %arg4[%add3A_198, %dma_start3A_204] : memref<65536x32xf32, #tpu.memory_space<hbm>> -> memref<128x32xf32, #tpu.memory_space<hbm>>
    %dma_start3A_206 = arith.constant 384 : i32
    %dma_start3A_207 = arith.constant 0 : i32
    %dma_start3A_208 = tpu.memref_slice %arg6[%dma_start3A_206, %dma_start3A_207] : memref<2048x32xf32, #tpu.memory_space<vmem>> -> memref<128x32xf32, #tpu.memory_space<vmem>>
    tpu.enqueue_dma source(%dma_start3A_208 : memref<128x32xf32, #tpu.memory_space<vmem>>) target(%dma_start3A_205 : memref<128x32xf32, #tpu.memory_space<hbm>>) target_semaphore(%arg8 : memref<!tpu.dma_semaphore, #tpu.memory_space<semaphore_mem>>)
    %dma_wait3A_209 = arith.constant 512 : i32
    %dma_wait3A_210 = arith.constant 0 : i32
    %dma_wait3A_211 = tpu.memref_slice %arg6[%dma_wait3A_209, %dma_wait3A_210] : memref<2048x32xf32, #tpu.memory_space<vmem>> -> memref<128x32xf32, #tpu.memory_space<vmem>>
    %dma_wait3A_212 = arith.constant 512 : i32
    %dma_wait3A_213 = tpu.memref_slice %arg5[%dma_wait3A_212] : memref<2048xi32, #tpu.memory_space<vmem>> -> memref<128xi32, #tpu.memory_space<vmem>>
    %dma_wait3A_214 = arith.constant 0 : i32
    %dma_wait3A_215 = arith.constant 0 : i32
    %dma_wait3A_216 = tpu.memref_slice %arg2[%dma_wait3A_214, %dma_wait3A_215] : memref<1024x32xf32, #tpu.memory_space<hbm>> -> memref<1024x32xf32, #tpu.memory_space<hbm>>
    tpu.wait_indirect_dma semaphore(%arg7 : memref<!tpu.dma_semaphore, #tpu.memory_space<semaphore_mem>>) src(%dma_wait3A_216 : memref<1024x32xf32, #tpu.memory_space<hbm>>) dst(%dma_wait3A_211 : memref<128x32xf32, #tpu.memory_space<vmem>>)
    %add3A_217 = arith.constant 512 : i32
    %add3A_218 = arith.addi %mul3A_2, %add3A_217 : i32
    %dma_start3A_219 = arith.constant 512 : i32
    %dma_start3A_220 = arith.constant 0 : i32
    %dma_start3A_221 = tpu.memref_slice %arg6[%dma_start3A_219, %dma_start3A_220] : memref<2048x32xf32, #tpu.memory_space<vmem>> -> memref<128x32xf32, #tpu.memory_space<vmem>>
    %dma_start3A_222 = arith.constant 0 : i32
    %dma_start3A_223 = tpu.memref_slice %arg4[%add3A_218, %dma_start3A_222] : memref<65536x32xf32, #tpu.memory_space<hbm>> -> memref<128x32xf32, #tpu.memory_space<hbm>>
    %dma_start3A_224 = arith.constant 0 : i32
    %dma_start3A_225 = tpu.memref_slice %arg4[%add3A_218, %dma_start3A_224] : memref<65536x32xf32, #tpu.memory_space<hbm>> -> memref<128x32xf32, #tpu.memory_space<hbm>>
    %dma_start3A_226 = arith.constant 512 : i32
    %dma_start3A_227 = arith.constant 0 : i32
    %dma_start3A_228 = tpu.memref_slice %arg6[%dma_start3A_226, %dma_start3A_227] : memref<2048x32xf32, #tpu.memory_space<vmem>> -> memref<128x32xf32, #tpu.memory_space<vmem>>
    tpu.enqueue_dma source(%dma_start3A_228 : memref<128x32xf32, #tpu.memory_space<vmem>>) target(%dma_start3A_225 : memref<128x32xf32, #tpu.memory_space<hbm>>) target_semaphore(%arg8 : memref<!tpu.dma_semaphore, #tpu.memory_space<semaphore_mem>>)
    %dma_wait3A_229 = arith.constant 640 : i32
    %dma_wait3A_230 = arith.constant 0 : i32
    %dma_wait3A_231 = tpu.memref_slice %arg6[%dma_wait3A_229, %dma_wait3A_230] : memref<2048x32xf32, #tpu.memory_space<vmem>> -> memref<128x32xf32, #tpu.memory_space<vmem>>
    %dma_wait3A_232 = arith.constant 640 : i32
    %dma_wait3A_233 = tpu.memref_slice %arg5[%dma_wait3A_232] : memref<2048xi32, #tpu.memory_space<vmem>> -> memref<128xi32, #tpu.memory_space<vmem>>
    %dma_wait3A_234 = arith.constant 0 : i32
    %dma_wait3A_235 = arith.constant 0 : i32
    %dma_wait3A_236 = tpu.memref_slice %arg2[%dma_wait3A_234, %dma_wait3A_235] : memref<1024x32xf32, #tpu.memory_space<hbm>> -> memref<1024x32xf32, #tpu.memory_space<hbm>>
    tpu.wait_indirect_dma semaphore(%arg7 : memref<!tpu.dma_semaphore, #tpu.memory_space<semaphore_mem>>) src(%dma_wait3A_236 : memref<1024x32xf32, #tpu.memory_space<hbm>>) dst(%dma_wait3A_231 : memref<128x32xf32, #tpu.memory_space<vmem>>)
    %add3A_237 = arith.constant 640 : i32
    %add3A_238 = arith.addi %mul3A_2, %add3A_237 : i32
    %dma_start3A_239 = arith.constant 640 : i32
    %dma_start3A_240 = arith.constant 0 : i32
    %dma_start3A_241 = tpu.memref_slice %arg6[%dma_start3A_239, %dma_start3A_240] : memref<2048x32xf32, #tpu.memory_space<vmem>> -> memref<128x32xf32, #tpu.memory_space<vmem>>
    %dma_start3A_242 = arith.constant 0 : i32
    %dma_start3A_243 = tpu.memref_slice %arg4[%add3A_238, %dma_start3A_242] : memref<65536x32xf32, #tpu.memory_space<hbm>> -> memref<128x32xf32, #tpu.memory_space<hbm>>
    %dma_start3A_244 = arith.constant 0 : i32
    %dma_start3A_245 = tpu.memref_slice %arg4[%add3A_238, %dma_start3A_244] : memref<65536x32xf32, #tpu.memory_space<hbm>> -> memref<128x32xf32, #tpu.memory_space<hbm>>
    %dma_start3A_246 = arith.constant 640 : i32
    %dma_start3A_247 = arith.constant 0 : i32
    %dma_start3A_248 = tpu.memref_slice %arg6[%dma_start3A_246, %dma_start3A_247] : memref<2048x32xf32, #tpu.memory_space<vmem>> -> memref<128x32xf32, #tpu.memory_space<vmem>>
    tpu.enqueue_dma source(%dma_start3A_248 : memref<128x32xf32, #tpu.memory_space<vmem>>) target(%dma_start3A_245 : memref<128x32xf32, #tpu.memory_space<hbm>>) target_semaphore(%arg8 : memref<!tpu.dma_semaphore, #tpu.memory_space<semaphore_mem>>)
    %dma_wait3A_249 = arith.constant 768 : i32
    %dma_wait3A_250 = arith.constant 0 : i32
    %dma_wait3A_251 = tpu.memref_slice %arg6[%dma_wait3A_249, %dma_wait3A_250] : memref<2048x32xf32, #tpu.memory_space<vmem>> -> memref<128x32xf32, #tpu.memory_space<vmem>>
    %dma_wait3A_252 = arith.constant 768 : i32
    %dma_wait3A_253 = tpu.memref_slice %arg5[%dma_wait3A_252] : memref<2048xi32, #tpu.memory_space<vmem>> -> memref<128xi32, #tpu.memory_space<vmem>>
    %dma_wait3A_254 = arith.constant 0 : i32
    %dma_wait3A_255 = arith.constant 0 : i32
    %dma_wait3A_256 = tpu.memref_slice %arg2[%dma_wait3A_254, %dma_wait3A_255] : memref<1024x32xf32, #tpu.memory_space<hbm>> -> memref<1024x32xf32, #tpu.memory_space<hbm>>
    tpu.wait_indirect_dma semaphore(%arg7 : memref<!tpu.dma_semaphore, #tpu.memory_space<semaphore_mem>>) src(%dma_wait3A_256 : memref<1024x32xf32, #tpu.memory_space<hbm>>) dst(%dma_wait3A_251 : memref<128x32xf32, #tpu.memory_space<vmem>>)
    %add3A_257 = arith.constant 768 : i32
    %add3A_258 = arith.addi %mul3A_2, %add3A_257 : i32
    %dma_start3A_259 = arith.constant 768 : i32
    %dma_start3A_260 = arith.constant 0 : i32
    %dma_start3A_261 = tpu.memref_slice %arg6[%dma_start3A_259, %dma_start3A_260] : memref<2048x32xf32, #tpu.memory_space<vmem>> -> memref<128x32xf32, #tpu.memory_space<vmem>>
    %dma_start3A_262 = arith.constant 0 : i32
    %dma_start3A_263 = tpu.memref_slice %arg4[%add3A_258, %dma_start3A_262] : memref<65536x32xf32, #tpu.memory_space<hbm>> -> memref<128x32xf32, #tpu.memory_space<hbm>>
    %dma_start3A_264 = arith.constant 0 : i32
    %dma_start3A_265 = tpu.memref_slice %arg4[%add3A_258, %dma_start3A_264] : memref<65536x32xf32, #tpu.memory_space<hbm>> -> memref<128x32xf32, #tpu.memory_space<hbm>>
    %dma_start3A_266 = arith.constant 768 : i32
    %dma_start3A_267 = arith.constant 0 : i32
    %dma_start3A_268 = tpu.memref_slice %arg6[%dma_start3A_266, %dma_start3A_267] : memref<2048x32xf32, #tpu.memory_space<vmem>> -> memref<128x32xf32, #tpu.memory_space<vmem>>
    tpu.enqueue_dma source(%dma_start3A_268 : memref<128x32xf32, #tpu.memory_space<vmem>>) target(%dma_start3A_265 : memref<128x32xf32, #tpu.memory_space<hbm>>) target_semaphore(%arg8 : memref<!tpu.dma_semaphore, #tpu.memory_space<semaphore_mem>>)
    %dma_wait3A_269 = arith.constant 896 : i32
    %dma_wait3A_270 = arith.constant 0 : i32
    %dma_wait3A_271 = tpu.memref_slice %arg6[%dma_wait3A_269, %dma_wait3A_270] : memref<2048x32xf32, #tpu.memory_space<vmem>> -> memref<128x32xf32, #tpu.memory_space<vmem>>
    %dma_wait3A_272 = arith.constant 896 : i32
    %dma_wait3A_273 = tpu.memref_slice %arg5[%dma_wait3A_272] : memref<2048xi32, #tpu.memory_space<vmem>> -> memref<128xi32, #tpu.memory_space<vmem>>
    %dma_wait3A_274 = arith.constant 0 : i32
    %dma_wait3A_275 = arith.constant 0 : i32
    %dma_wait3A_276 = tpu.memref_slice %arg2[%dma_wait3A_274, %dma_wait3A_275] : memref<1024x32xf32, #tpu.memory_space<hbm>> -> memref<1024x32xf32, #tpu.memory_space<hbm>>
    tpu.wait_indirect_dma semaphore(%arg7 : memref<!tpu.dma_semaphore, #tpu.memory_space<semaphore_mem>>) src(%dma_wait3A_276 : memref<1024x32xf32, #tpu.memory_space<hbm>>) dst(%dma_wait3A_271 : memref<128x32xf32, #tpu.memory_space<vmem>>)
    %add3A_277 = arith.constant 896 : i32
    %add3A_278 = arith.addi %mul3A_2, %add3A_277 : i32
    %dma_start3A_279 = arith.constant 896 : i32
    %dma_start3A_280 = arith.constant 0 : i32
    %dma_start3A_281 = tpu.memref_slice %arg6[%dma_start3A_279, %dma_start3A_280] : memref<2048x32xf32, #tpu.memory_space<vmem>> -> memref<128x32xf32, #tpu.memory_space<vmem>>
    %dma_start3A_282 = arith.constant 0 : i32
    %dma_start3A_283 = tpu.memref_slice %arg4[%add3A_278, %dma_start3A_282] : memref<65536x32xf32, #tpu.memory_space<hbm>> -> memref<128x32xf32, #tpu.memory_space<hbm>>
    %dma_start3A_284 = arith.constant 0 : i32
    %dma_start3A_285 = tpu.memref_slice %arg4[%add3A_278, %dma_start3A_284] : memref<65536x32xf32, #tpu.memory_space<hbm>> -> memref<128x32xf32, #tpu.memory_space<hbm>>
    %dma_start3A_286 = arith.constant 896 : i32
    %dma_start3A_287 = arith.constant 0 : i32
    %dma_start3A_288 = tpu.memref_slice %arg6[%dma_start3A_286, %dma_start3A_287] : memref<2048x32xf32, #tpu.memory_space<vmem>> -> memref<128x32xf32, #tpu.memory_space<vmem>>
    tpu.enqueue_dma source(%dma_start3A_288 : memref<128x32xf32, #tpu.memory_space<vmem>>) target(%dma_start3A_285 : memref<128x32xf32, #tpu.memory_space<hbm>>) target_semaphore(%arg8 : memref<!tpu.dma_semaphore, #tpu.memory_space<semaphore_mem>>)
    %dma_wait3A_289 = arith.constant 1024 : i32
    %dma_wait3A_290 = arith.constant 0 : i32
    %dma_wait3A_291 = tpu.memref_slice %arg6[%dma_wait3A_289, %dma_wait3A_290] : memref<2048x32xf32, #tpu.memory_space<vmem>> -> memref<128x32xf32, #tpu.memory_space<vmem>>
    %dma_wait3A_292 = arith.constant 1024 : i32
    %dma_wait3A_293 = tpu.memref_slice %arg5[%dma_wait3A_292] : memref<2048xi32, #tpu.memory_space<vmem>> -> memref<128xi32, #tpu.memory_space<vmem>>
    %dma_wait3A_294 = arith.constant 0 : i32
    %dma_wait3A_295 = arith.constant 0 : i32
    %dma_wait3A_296 = tpu.memref_slice %arg2[%dma_wait3A_294, %dma_wait3A_295] : memref<1024x32xf32, #tpu.memory_space<hbm>> -> memref<1024x32xf32, #tpu.memory_space<hbm>>
    tpu.wait_indirect_dma semaphore(%arg7 : memref<!tpu.dma_semaphore, #tpu.memory_space<semaphore_mem>>) src(%dma_wait3A_296 : memref<1024x32xf32, #tpu.memory_space<hbm>>) dst(%dma_wait3A_291 : memref<128x32xf32, #tpu.memory_space<vmem>>)
    %add3A_297 = arith.constant 1024 : i32
    %add3A_298 = arith.addi %mul3A_2, %add3A_297 : i32
    %dma_start3A_299 = arith.constant 1024 : i32
    %dma_start3A_300 = arith.constant 0 : i32
    %dma_start3A_301 = tpu.memref_slice %arg6[%dma_start3A_299, %dma_start3A_300] : memref<2048x32xf32, #tpu.memory_space<vmem>> -> memref<128x32xf32, #tpu.memory_space<vmem>>
    %dma_start3A_302 = arith.constant 0 : i32
    %dma_start3A_303 = tpu.memref_slice %arg4[%add3A_298, %dma_start3A_302] : memref<65536x32xf32, #tpu.memory_space<hbm>> -> memref<128x32xf32, #tpu.memory_space<hbm>>
    %dma_start3A_304 = arith.constant 0 : i32
    %dma_start3A_305 = tpu.memref_slice %arg4[%add3A_298, %dma_start3A_304] : memref<65536x32xf32, #tpu.memory_space<hbm>> -> memref<128x32xf32, #tpu.memory_space<hbm>>
    %dma_start3A_306 = arith.constant 1024 : i32
    %dma_start3A_307 = arith.constant 0 : i32
    %dma_start3A_308 = tpu.memref_slice %arg6[%dma_start3A_306, %dma_start3A_307] : memref<2048x32xf32, #tpu.memory_space<vmem>> -> memref<128x32xf32, #tpu.memory_space<vmem>>
    tpu.enqueue_dma source(%dma_start3A_308 : memref<128x32xf32, #tpu.memory_space<vmem>>) target(%dma_start3A_305 : memref<128x32xf32, #tpu.memory_space<hbm>>) target_semaphore(%arg8 : memref<!tpu.dma_semaphore, #tpu.memory_space<semaphore_mem>>)
    %dma_wait3A_309 = arith.constant 1152 : i32
    %dma_wait3A_310 = arith.constant 0 : i32
    %dma_wait3A_311 = tpu.memref_slice %arg6[%dma_wait3A_309, %dma_wait3A_310] : memref<2048x32xf32, #tpu.memory_space<vmem>> -> memref<128x32xf32, #tpu.memory_space<vmem>>
    %dma_wait3A_312 = arith.constant 1152 : i32
    %dma_wait3A_313 = tpu.memref_slice %arg5[%dma_wait3A_312] : memref<2048xi32, #tpu.memory_space<vmem>> -> memref<128xi32, #tpu.memory_space<vmem>>
    %dma_wait3A_314 = arith.constant 0 : i32
    %dma_wait3A_315 = arith.constant 0 : i32
    %dma_wait3A_316 = tpu.memref_slice %arg2[%dma_wait3A_314, %dma_wait3A_315] : memref<1024x32xf32, #tpu.memory_space<hbm>> -> memref<1024x32xf32, #tpu.memory_space<hbm>>
    tpu.wait_indirect_dma semaphore(%arg7 : memref<!tpu.dma_semaphore, #tpu.memory_space<semaphore_mem>>) src(%dma_wait3A_316 : memref<1024x32xf32, #tpu.memory_space<hbm>>) dst(%dma_wait3A_311 : memref<128x32xf32, #tpu.memory_space<vmem>>)
    %add3A_317 = arith.constant 1152 : i32
    %add3A_318 = arith.addi %mul3A_2, %add3A_317 : i32
    %dma_start3A_319 = arith.constant 1152 : i32
    %dma_start3A_320 = arith.constant 0 : i32
    %dma_start3A_321 = tpu.memref_slice %arg6[%dma_start3A_319, %dma_start3A_320] : memref<2048x32xf32, #tpu.memory_space<vmem>> -> memref<128x32xf32, #tpu.memory_space<vmem>>
    %dma_start3A_322 = arith.constant 0 : i32
    %dma_start3A_323 = tpu.memref_slice %arg4[%add3A_318, %dma_start3A_322] : memref<65536x32xf32, #tpu.memory_space<hbm>> -> memref<128x32xf32, #tpu.memory_space<hbm>>
    %dma_start3A_324 = arith.constant 0 : i32
    %dma_start3A_325 = tpu.memref_slice %arg4[%add3A_318, %dma_start3A_324] : memref<65536x32xf32, #tpu.memory_space<hbm>> -> memref<128x32xf32, #tpu.memory_space<hbm>>
    %dma_start3A_326 = arith.constant 1152 : i32
    %dma_start3A_327 = arith.constant 0 : i32
    %dma_start3A_328 = tpu.memref_slice %arg6[%dma_start3A_326, %dma_start3A_327] : memref<2048x32xf32, #tpu.memory_space<vmem>> -> memref<128x32xf32, #tpu.memory_space<vmem>>
    tpu.enqueue_dma source(%dma_start3A_328 : memref<128x32xf32, #tpu.memory_space<vmem>>) target(%dma_start3A_325 : memref<128x32xf32, #tpu.memory_space<hbm>>) target_semaphore(%arg8 : memref<!tpu.dma_semaphore, #tpu.memory_space<semaphore_mem>>)
    %dma_wait3A_329 = arith.constant 1280 : i32
    %dma_wait3A_330 = arith.constant 0 : i32
    %dma_wait3A_331 = tpu.memref_slice %arg6[%dma_wait3A_329, %dma_wait3A_330] : memref<2048x32xf32, #tpu.memory_space<vmem>> -> memref<128x32xf32, #tpu.memory_space<vmem>>
    %dma_wait3A_332 = arith.constant 1280 : i32
    %dma_wait3A_333 = tpu.memref_slice %arg5[%dma_wait3A_332] : memref<2048xi32, #tpu.memory_space<vmem>> -> memref<128xi32, #tpu.memory_space<vmem>>
    %dma_wait3A_334 = arith.constant 0 : i32
    %dma_wait3A_335 = arith.constant 0 : i32
    %dma_wait3A_336 = tpu.memref_slice %arg2[%dma_wait3A_334, %dma_wait3A_335] : memref<1024x32xf32, #tpu.memory_space<hbm>> -> memref<1024x32xf32, #tpu.memory_space<hbm>>
    tpu.wait_indirect_dma semaphore(%arg7 : memref<!tpu.dma_semaphore, #tpu.memory_space<semaphore_mem>>) src(%dma_wait3A_336 : memref<1024x32xf32, #tpu.memory_space<hbm>>) dst(%dma_wait3A_331 : memref<128x32xf32, #tpu.memory_space<vmem>>)
    %add3A_337 = arith.constant 1280 : i32
    %add3A_338 = arith.addi %mul3A_2, %add3A_337 : i32
    %dma_start3A_339 = arith.constant 1280 : i32
    %dma_start3A_340 = arith.constant 0 : i32
    %dma_start3A_341 = tpu.memref_slice %arg6[%dma_start3A_339, %dma_start3A_340] : memref<2048x32xf32, #tpu.memory_space<vmem>> -> memref<128x32xf32, #tpu.memory_space<vmem>>
    %dma_start3A_342 = arith.constant 0 : i32
    %dma_start3A_343 = tpu.memref_slice %arg4[%add3A_338, %dma_start3A_342] : memref<65536x32xf32, #tpu.memory_space<hbm>> -> memref<128x32xf32, #tpu.memory_space<hbm>>
    %dma_start3A_344 = arith.constant 0 : i32
    %dma_start3A_345 = tpu.memref_slice %arg4[%add3A_338, %dma_start3A_344] : memref<65536x32xf32, #tpu.memory_space<hbm>> -> memref<128x32xf32, #tpu.memory_space<hbm>>
    %dma_start3A_346 = arith.constant 1280 : i32
    %dma_start3A_347 = arith.constant 0 : i32
    %dma_start3A_348 = tpu.memref_slice %arg6[%dma_start3A_346, %dma_start3A_347] : memref<2048x32xf32, #tpu.memory_space<vmem>> -> memref<128x32xf32, #tpu.memory_space<vmem>>
    tpu.enqueue_dma source(%dma_start3A_348 : memref<128x32xf32, #tpu.memory_space<vmem>>) target(%dma_start3A_345 : memref<128x32xf32, #tpu.memory_space<hbm>>) target_semaphore(%arg8 : memref<!tpu.dma_semaphore, #tpu.memory_space<semaphore_mem>>)
    %dma_wait3A_349 = arith.constant 1408 : i32
    %dma_wait3A_350 = arith.constant 0 : i32
    %dma_wait3A_351 = tpu.memref_slice %arg6[%dma_wait3A_349, %dma_wait3A_350] : memref<2048x32xf32, #tpu.memory_space<vmem>> -> memref<128x32xf32, #tpu.memory_space<vmem>>
    %dma_wait3A_352 = arith.constant 1408 : i32
    %dma_wait3A_353 = tpu.memref_slice %arg5[%dma_wait3A_352] : memref<2048xi32, #tpu.memory_space<vmem>> -> memref<128xi32, #tpu.memory_space<vmem>>
    %dma_wait3A_354 = arith.constant 0 : i32
    %dma_wait3A_355 = arith.constant 0 : i32
    %dma_wait3A_356 = tpu.memref_slice %arg2[%dma_wait3A_354, %dma_wait3A_355] : memref<1024x32xf32, #tpu.memory_space<hbm>> -> memref<1024x32xf32, #tpu.memory_space<hbm>>
    tpu.wait_indirect_dma semaphore(%arg7 : memref<!tpu.dma_semaphore, #tpu.memory_space<semaphore_mem>>) src(%dma_wait3A_356 : memref<1024x32xf32, #tpu.memory_space<hbm>>) dst(%dma_wait3A_351 : memref<128x32xf32, #tpu.memory_space<vmem>>)
    %add3A_357 = arith.constant 1408 : i32
    %add3A_358 = arith.addi %mul3A_2, %add3A_357 : i32
    %dma_start3A_359 = arith.constant 1408 : i32
    %dma_start3A_360 = arith.constant 0 : i32
    %dma_start3A_361 = tpu.memref_slice %arg6[%dma_start3A_359, %dma_start3A_360] : memref<2048x32xf32, #tpu.memory_space<vmem>> -> memref<128x32xf32, #tpu.memory_space<vmem>>
    %dma_start3A_362 = arith.constant 0 : i32
    %dma_start3A_363 = tpu.memref_slice %arg4[%add3A_358, %dma_start3A_362] : memref<65536x32xf32, #tpu.memory_space<hbm>> -> memref<128x32xf32, #tpu.memory_space<hbm>>
    %dma_start3A_364 = arith.constant 0 : i32
    %dma_start3A_365 = tpu.memref_slice %arg4[%add3A_358, %dma_start3A_364] : memref<65536x32xf32, #tpu.memory_space<hbm>> -> memref<128x32xf32, #tpu.memory_space<hbm>>
    %dma_start3A_366 = arith.constant 1408 : i32
    %dma_start3A_367 = arith.constant 0 : i32
    %dma_start3A_368 = tpu.memref_slice %arg6[%dma_start3A_366, %dma_start3A_367] : memref<2048x32xf32, #tpu.memory_space<vmem>> -> memref<128x32xf32, #tpu.memory_space<vmem>>
    tpu.enqueue_dma source(%dma_start3A_368 : memref<128x32xf32, #tpu.memory_space<vmem>>) target(%dma_start3A_365 : memref<128x32xf32, #tpu.memory_space<hbm>>) target_semaphore(%arg8 : memref<!tpu.dma_semaphore, #tpu.memory_space<semaphore_mem>>)
    %dma_wait3A_369 = arith.constant 1536 : i32
    %dma_wait3A_370 = arith.constant 0 : i32
    %dma_wait3A_371 = tpu.memref_slice %arg6[%dma_wait3A_369, %dma_wait3A_370] : memref<2048x32xf32, #tpu.memory_space<vmem>> -> memref<128x32xf32, #tpu.memory_space<vmem>>
    %dma_wait3A_372 = arith.constant 1536 : i32
    %dma_wait3A_373 = tpu.memref_slice %arg5[%dma_wait3A_372] : memref<2048xi32, #tpu.memory_space<vmem>> -> memref<128xi32, #tpu.memory_space<vmem>>
    %dma_wait3A_374 = arith.constant 0 : i32
    %dma_wait3A_375 = arith.constant 0 : i32
    %dma_wait3A_376 = tpu.memref_slice %arg2[%dma_wait3A_374, %dma_wait3A_375] : memref<1024x32xf32, #tpu.memory_space<hbm>> -> memref<1024x32xf32, #tpu.memory_space<hbm>>
    tpu.wait_indirect_dma semaphore(%arg7 : memref<!tpu.dma_semaphore, #tpu.memory_space<semaphore_mem>>) src(%dma_wait3A_376 : memref<1024x32xf32, #tpu.memory_space<hbm>>) dst(%dma_wait3A_371 : memref<128x32xf32, #tpu.memory_space<vmem>>)
    %add3A_377 = arith.constant 1536 : i32
    %add3A_378 = arith.addi %mul3A_2, %add3A_377 : i32
    %dma_start3A_379 = arith.constant 1536 : i32
    %dma_start3A_380 = arith.constant 0 : i32
    %dma_start3A_381 = tpu.memref_slice %arg6[%dma_start3A_379, %dma_start3A_380] : memref<2048x32xf32, #tpu.memory_space<vmem>> -> memref<128x32xf32, #tpu.memory_space<vmem>>
    %dma_start3A_382 = arith.constant 0 : i32
    %dma_start3A_383 = tpu.memref_slice %arg4[%add3A_378, %dma_start3A_382] : memref<65536x32xf32, #tpu.memory_space<hbm>> -> memref<128x32xf32, #tpu.memory_space<hbm>>
    %dma_start3A_384 = arith.constant 0 : i32
    %dma_start3A_385 = tpu.memref_slice %arg4[%add3A_378, %dma_start3A_384] : memref<65536x32xf32, #tpu.memory_space<hbm>> -> memref<128x32xf32, #tpu.memory_space<hbm>>
    %dma_start3A_386 = arith.constant 1536 : i32
    %dma_start3A_387 = arith.constant 0 : i32
    %dma_start3A_388 = tpu.memref_slice %arg6[%dma_start3A_386, %dma_start3A_387] : memref<2048x32xf32, #tpu.memory_space<vmem>> -> memref<128x32xf32, #tpu.memory_space<vmem>>
    tpu.enqueue_dma source(%dma_start3A_388 : memref<128x32xf32, #tpu.memory_space<vmem>>) target(%dma_start3A_385 : memref<128x32xf32, #tpu.memory_space<hbm>>) target_semaphore(%arg8 : memref<!tpu.dma_semaphore, #tpu.memory_space<semaphore_mem>>)
    %dma_wait3A_389 = arith.constant 1664 : i32
    %dma_wait3A_390 = arith.constant 0 : i32
    %dma_wait3A_391 = tpu.memref_slice %arg6[%dma_wait3A_389, %dma_wait3A_390] : memref<2048x32xf32, #tpu.memory_space<vmem>> -> memref<128x32xf32, #tpu.memory_space<vmem>>
    %dma_wait3A_392 = arith.constant 1664 : i32
    %dma_wait3A_393 = tpu.memref_slice %arg5[%dma_wait3A_392] : memref<2048xi32, #tpu.memory_space<vmem>> -> memref<128xi32, #tpu.memory_space<vmem>>
    %dma_wait3A_394 = arith.constant 0 : i32
    %dma_wait3A_395 = arith.constant 0 : i32
    %dma_wait3A_396 = tpu.memref_slice %arg2[%dma_wait3A_394, %dma_wait3A_395] : memref<1024x32xf32, #tpu.memory_space<hbm>> -> memref<1024x32xf32, #tpu.memory_space<hbm>>
    tpu.wait_indirect_dma semaphore(%arg7 : memref<!tpu.dma_semaphore, #tpu.memory_space<semaphore_mem>>) src(%dma_wait3A_396 : memref<1024x32xf32, #tpu.memory_space<hbm>>) dst(%dma_wait3A_391 : memref<128x32xf32, #tpu.memory_space<vmem>>)
    %add3A_397 = arith.constant 1664 : i32
    %add3A_398 = arith.addi %mul3A_2, %add3A_397 : i32
    %dma_start3A_399 = arith.constant 1664 : i32
    %dma_start3A_400 = arith.constant 0 : i32
    %dma_start3A_401 = tpu.memref_slice %arg6[%dma_start3A_399, %dma_start3A_400] : memref<2048x32xf32, #tpu.memory_space<vmem>> -> memref<128x32xf32, #tpu.memory_space<vmem>>
    %dma_start3A_402 = arith.constant 0 : i32
    %dma_start3A_403 = tpu.memref_slice %arg4[%add3A_398, %dma_start3A_402] : memref<65536x32xf32, #tpu.memory_space<hbm>> -> memref<128x32xf32, #tpu.memory_space<hbm>>
    %dma_start3A_404 = arith.constant 0 : i32
    %dma_start3A_405 = tpu.memref_slice %arg4[%add3A_398, %dma_start3A_404] : memref<65536x32xf32, #tpu.memory_space<hbm>> -> memref<128x32xf32, #tpu.memory_space<hbm>>
    %dma_start3A_406 = arith.constant 1664 : i32
    %dma_start3A_407 = arith.constant 0 : i32
    %dma_start3A_408 = tpu.memref_slice %arg6[%dma_start3A_406, %dma_start3A_407] : memref<2048x32xf32, #tpu.memory_space<vmem>> -> memref<128x32xf32, #tpu.memory_space<vmem>>
    tpu.enqueue_dma source(%dma_start3A_408 : memref<128x32xf32, #tpu.memory_space<vmem>>) target(%dma_start3A_405 : memref<128x32xf32, #tpu.memory_space<hbm>>) target_semaphore(%arg8 : memref<!tpu.dma_semaphore, #tpu.memory_space<semaphore_mem>>)
    %dma_wait3A_409 = arith.constant 1792 : i32
    %dma_wait3A_410 = arith.constant 0 : i32
    %dma_wait3A_411 = tpu.memref_slice %arg6[%dma_wait3A_409, %dma_wait3A_410] : memref<2048x32xf32, #tpu.memory_space<vmem>> -> memref<128x32xf32, #tpu.memory_space<vmem>>
    %dma_wait3A_412 = arith.constant 1792 : i32
    %dma_wait3A_413 = tpu.memref_slice %arg5[%dma_wait3A_412] : memref<2048xi32, #tpu.memory_space<vmem>> -> memref<128xi32, #tpu.memory_space<vmem>>
    %dma_wait3A_414 = arith.constant 0 : i32
    %dma_wait3A_415 = arith.constant 0 : i32
    %dma_wait3A_416 = tpu.memref_slice %arg2[%dma_wait3A_414, %dma_wait3A_415] : memref<1024x32xf32, #tpu.memory_space<hbm>> -> memref<1024x32xf32, #tpu.memory_space<hbm>>
    tpu.wait_indirect_dma semaphore(%arg7 : memref<!tpu.dma_semaphore, #tpu.memory_space<semaphore_mem>>) src(%dma_wait3A_416 : memref<1024x32xf32, #tpu.memory_space<hbm>>) dst(%dma_wait3A_411 : memref<128x32xf32, #tpu.memory_space<vmem>>)
    %add3A_417 = arith.constant 1792 : i32
    %add3A_418 = arith.addi %mul3A_2, %add3A_417 : i32
    %dma_start3A_419 = arith.constant 1792 : i32
    %dma_start3A_420 = arith.constant 0 : i32
    %dma_start3A_421 = tpu.memref_slice %arg6[%dma_start3A_419, %dma_start3A_420] : memref<2048x32xf32, #tpu.memory_space<vmem>> -> memref<128x32xf32, #tpu.memory_space<vmem>>
    %dma_start3A_422 = arith.constant 0 : i32
    %dma_start3A_423 = tpu.memref_slice %arg4[%add3A_418, %dma_start3A_422] : memref<65536x32xf32, #tpu.memory_space<hbm>> -> memref<128x32xf32, #tpu.memory_space<hbm>>
    %dma_start3A_424 = arith.constant 0 : i32
    %dma_start3A_425 = tpu.memref_slice %arg4[%add3A_418, %dma_start3A_424] : memref<65536x32xf32, #tpu.memory_space<hbm>> -> memref<128x32xf32, #tpu.memory_space<hbm>>
    %dma_start3A_426 = arith.constant 1792 : i32
    %dma_start3A_427 = arith.constant 0 : i32
    %dma_start3A_428 = tpu.memref_slice %arg6[%dma_start3A_426, %dma_start3A_427] : memref<2048x32xf32, #tpu.memory_space<vmem>> -> memref<128x32xf32, #tpu.memory_space<vmem>>
    tpu.enqueue_dma source(%dma_start3A_428 : memref<128x32xf32, #tpu.memory_space<vmem>>) target(%dma_start3A_425 : memref<128x32xf32, #tpu.memory_space<hbm>>) target_semaphore(%arg8 : memref<!tpu.dma_semaphore, #tpu.memory_space<semaphore_mem>>)
    %dma_wait3A_429 = arith.constant 1920 : i32
    %dma_wait3A_430 = arith.constant 0 : i32
    %dma_wait3A_431 = tpu.memref_slice %arg6[%dma_wait3A_429, %dma_wait3A_430] : memref<2048x32xf32, #tpu.memory_space<vmem>> -> memref<128x32xf32, #tpu.memory_space<vmem>>
    %dma_wait3A_432 = arith.constant 1920 : i32
    %dma_wait3A_433 = tpu.memref_slice %arg5[%dma_wait3A_432] : memref<2048xi32, #tpu.memory_space<vmem>> -> memref<128xi32, #tpu.memory_space<vmem>>
    %dma_wait3A_434 = arith.constant 0 : i32
    %dma_wait3A_435 = arith.constant 0 : i32
    %dma_wait3A_436 = tpu.memref_slice %arg2[%dma_wait3A_434, %dma_wait3A_435] : memref<1024x32xf32, #tpu.memory_space<hbm>> -> memref<1024x32xf32, #tpu.memory_space<hbm>>
    tpu.wait_indirect_dma semaphore(%arg7 : memref<!tpu.dma_semaphore, #tpu.memory_space<semaphore_mem>>) src(%dma_wait3A_436 : memref<1024x32xf32, #tpu.memory_space<hbm>>) dst(%dma_wait3A_431 : memref<128x32xf32, #tpu.memory_space<vmem>>)
    %add3A_437 = arith.constant 1920 : i32
    %add3A_438 = arith.addi %mul3A_2, %add3A_437 : i32
    %dma_start3A_439 = arith.constant 1920 : i32
    %dma_start3A_440 = arith.constant 0 : i32
    %dma_start3A_441 = tpu.memref_slice %arg6[%dma_start3A_439, %dma_start3A_440] : memref<2048x32xf32, #tpu.memory_space<vmem>> -> memref<128x32xf32, #tpu.memory_space<vmem>>
    %dma_start3A_442 = arith.constant 0 : i32
    %dma_start3A_443 = tpu.memref_slice %arg4[%add3A_438, %dma_start3A_442] : memref<65536x32xf32, #tpu.memory_space<hbm>> -> memref<128x32xf32, #tpu.memory_space<hbm>>
    %dma_start3A_444 = arith.constant 0 : i32
    %dma_start3A_445 = tpu.memref_slice %arg4[%add3A_438, %dma_start3A_444] : memref<65536x32xf32, #tpu.memory_space<hbm>> -> memref<128x32xf32, #tpu.memory_space<hbm>>
    %dma_start3A_446 = arith.constant 1920 : i32
    %dma_start3A_447 = arith.constant 0 : i32
    %dma_start3A_448 = tpu.memref_slice %arg6[%dma_start3A_446, %dma_start3A_447] : memref<2048x32xf32, #tpu.memory_space<vmem>> -> memref<128x32xf32, #tpu.memory_space<vmem>>
    tpu.enqueue_dma source(%dma_start3A_448 : memref<128x32xf32, #tpu.memory_space<vmem>>) target(%dma_start3A_445 : memref<128x32xf32, #tpu.memory_space<hbm>>) target_semaphore(%arg8 : memref<!tpu.dma_semaphore, #tpu.memory_space<semaphore_mem>>)
    %dma_wait3A_449 = arith.constant 0 : i32
    %dma_wait3A_450 = arith.constant 0 : i32
    %dma_wait3A_451 = tpu.memref_slice %arg6[%dma_wait3A_449, %dma_wait3A_450] : memref<2048x32xf32, #tpu.memory_space<vmem>> -> memref<128x32xf32, #tpu.memory_space<vmem>>
    %dma_wait3A_452 = arith.constant 0 : i32
    %dma_wait3A_453 = tpu.memref_slice %arg4[%add3A_138, %dma_wait3A_452] : memref<65536x32xf32, #tpu.memory_space<hbm>> -> memref<128x32xf32, #tpu.memory_space<hbm>>
    %dma_wait3A_454 = arith.constant 0 : i32
    %dma_wait3A_455 = tpu.memref_slice %arg4[%add3A_138, %dma_wait3A_454] : memref<65536x32xf32, #tpu.memory_space<hbm>> -> memref<128x32xf32, #tpu.memory_space<hbm>>
    %dma_wait3A_456 = arith.constant 0 : i32
    %dma_wait3A_457 = arith.constant 0 : i32
    %dma_wait3A_458 = tpu.memref_slice %arg6[%dma_wait3A_456, %dma_wait3A_457] : memref<2048x32xf32, #tpu.memory_space<vmem>> -> memref<128x32xf32, #tpu.memory_space<vmem>>
    tpu.wait_dma2 semaphore(%arg8 : memref<!tpu.dma_semaphore, #tpu.memory_space<semaphore_mem>>) src(%dma_wait3A_458 : memref<128x32xf32, #tpu.memory_space<vmem>>) dst(%dma_wait3A_455 : memref<128x32xf32, #tpu.memory_space<hbm>>)
    %dma_wait3A_459 = arith.constant 128 : i32
    %dma_wait3A_460 = arith.constant 0 : i32
    %dma_wait3A_461 = tpu.memref_slice %arg6[%dma_wait3A_459, %dma_wait3A_460] : memref<2048x32xf32, #tpu.memory_space<vmem>> -> memref<128x32xf32, #tpu.memory_space<vmem>>
    %dma_wait3A_462 = arith.constant 0 : i32
    %dma_wait3A_463 = tpu.memref_slice %arg4[%add3A_158, %dma_wait3A_462] : memref<65536x32xf32, #tpu.memory_space<hbm>> -> memref<128x32xf32, #tpu.memory_space<hbm>>
    %dma_wait3A_464 = arith.constant 0 : i32
    %dma_wait3A_465 = tpu.memref_slice %arg4[%add3A_158, %dma_wait3A_464] : memref<65536x32xf32, #tpu.memory_space<hbm>> -> memref<128x32xf32, #tpu.memory_space<hbm>>
    %dma_wait3A_466 = arith.constant 128 : i32
    %dma_wait3A_467 = arith.constant 0 : i32
    %dma_wait3A_468 = tpu.memref_slice %arg6[%dma_wait3A_466, %dma_wait3A_467] : memref<2048x32xf32, #tpu.memory_space<vmem>> -> memref<128x32xf32, #tpu.memory_space<vmem>>
    tpu.wait_dma2 semaphore(%arg8 : memref<!tpu.dma_semaphore, #tpu.memory_space<semaphore_mem>>) src(%dma_wait3A_468 : memref<128x32xf32, #tpu.memory_space<vmem>>) dst(%dma_wait3A_465 : memref<128x32xf32, #tpu.memory_space<hbm>>)
    %dma_wait3A_469 = arith.constant 256 : i32
    %dma_wait3A_470 = arith.constant 0 : i32
    %dma_wait3A_471 = tpu.memref_slice %arg6[%dma_wait3A_469, %dma_wait3A_470] : memref<2048x32xf32, #tpu.memory_space<vmem>> -> memref<128x32xf32, #tpu.memory_space<vmem>>
    %dma_wait3A_472 = arith.constant 0 : i32
    %dma_wait3A_473 = tpu.memref_slice %arg4[%add3A_178, %dma_wait3A_472] : memref<65536x32xf32, #tpu.memory_space<hbm>> -> memref<128x32xf32, #tpu.memory_space<hbm>>
    %dma_wait3A_474 = arith.constant 0 : i32
    %dma_wait3A_475 = tpu.memref_slice %arg4[%add3A_178, %dma_wait3A_474] : memref<65536x32xf32, #tpu.memory_space<hbm>> -> memref<128x32xf32, #tpu.memory_space<hbm>>
    %dma_wait3A_476 = arith.constant 256 : i32
    %dma_wait3A_477 = arith.constant 0 : i32
    %dma_wait3A_478 = tpu.memref_slice %arg6[%dma_wait3A_476, %dma_wait3A_477] : memref<2048x32xf32, #tpu.memory_space<vmem>> -> memref<128x32xf32, #tpu.memory_space<vmem>>
    tpu.wait_dma2 semaphore(%arg8 : memref<!tpu.dma_semaphore, #tpu.memory_space<semaphore_mem>>) src(%dma_wait3A_478 : memref<128x32xf32, #tpu.memory_space<vmem>>) dst(%dma_wait3A_475 : memref<128x32xf32, #tpu.memory_space<hbm>>)
    %dma_wait3A_479 = arith.constant 384 : i32
    %dma_wait3A_480 = arith.constant 0 : i32
    %dma_wait3A_481 = tpu.memref_slice %arg6[%dma_wait3A_479, %dma_wait3A_480] : memref<2048x32xf32, #tpu.memory_space<vmem>> -> memref<128x32xf32, #tpu.memory_space<vmem>>
    %dma_wait3A_482 = arith.constant 0 : i32
    %dma_wait3A_483 = tpu.memref_slice %arg4[%add3A_198, %dma_wait3A_482] : memref<65536x32xf32, #tpu.memory_space<hbm>> -> memref<128x32xf32, #tpu.memory_space<hbm>>
    %dma_wait3A_484 = arith.constant 0 : i32
    %dma_wait3A_485 = tpu.memref_slice %arg4[%add3A_198, %dma_wait3A_484] : memref<65536x32xf32, #tpu.memory_space<hbm>> -> memref<128x32xf32, #tpu.memory_space<hbm>>
    %dma_wait3A_486 = arith.constant 384 : i32
    %dma_wait3A_487 = arith.constant 0 : i32
    %dma_wait3A_488 = tpu.memref_slice %arg6[%dma_wait3A_486, %dma_wait3A_487] : memref<2048x32xf32, #tpu.memory_space<vmem>> -> memref<128x32xf32, #tpu.memory_space<vmem>>
    tpu.wait_dma2 semaphore(%arg8 : memref<!tpu.dma_semaphore, #tpu.memory_space<semaphore_mem>>) src(%dma_wait3A_488 : memref<128x32xf32, #tpu.memory_space<vmem>>) dst(%dma_wait3A_485 : memref<128x32xf32, #tpu.memory_space<hbm>>)
    %dma_wait3A_489 = arith.constant 512 : i32
    %dma_wait3A_490 = arith.constant 0 : i32
    %dma_wait3A_491 = tpu.memref_slice %arg6[%dma_wait3A_489, %dma_wait3A_490] : memref<2048x32xf32, #tpu.memory_space<vmem>> -> memref<128x32xf32, #tpu.memory_space<vmem>>
    %dma_wait3A_492 = arith.constant 0 : i32
    %dma_wait3A_493 = tpu.memref_slice %arg4[%add3A_218, %dma_wait3A_492] : memref<65536x32xf32, #tpu.memory_space<hbm>> -> memref<128x32xf32, #tpu.memory_space<hbm>>
    %dma_wait3A_494 = arith.constant 0 : i32
    %dma_wait3A_495 = tpu.memref_slice %arg4[%add3A_218, %dma_wait3A_494] : memref<65536x32xf32, #tpu.memory_space<hbm>> -> memref<128x32xf32, #tpu.memory_space<hbm>>
    %dma_wait3A_496 = arith.constant 512 : i32
    %dma_wait3A_497 = arith.constant 0 : i32
    %dma_wait3A_498 = tpu.memref_slice %arg6[%dma_wait3A_496, %dma_wait3A_497] : memref<2048x32xf32, #tpu.memory_space<vmem>> -> memref<128x32xf32, #tpu.memory_space<vmem>>
    tpu.wait_dma2 semaphore(%arg8 : memref<!tpu.dma_semaphore, #tpu.memory_space<semaphore_mem>>) src(%dma_wait3A_498 : memref<128x32xf32, #tpu.memory_space<vmem>>) dst(%dma_wait3A_495 : memref<128x32xf32, #tpu.memory_space<hbm>>)
    %dma_wait3A_499 = arith.constant 640 : i32
    %dma_wait3A_500 = arith.constant 0 : i32
    %dma_wait3A_501 = tpu.memref_slice %arg6[%dma_wait3A_499, %dma_wait3A_500] : memref<2048x32xf32, #tpu.memory_space<vmem>> -> memref<128x32xf32, #tpu.memory_space<vmem>>
    %dma_wait3A_502 = arith.constant 0 : i32
    %dma_wait3A_503 = tpu.memref_slice %arg4[%add3A_238, %dma_wait3A_502] : memref<65536x32xf32, #tpu.memory_space<hbm>> -> memref<128x32xf32, #tpu.memory_space<hbm>>
    %dma_wait3A_504 = arith.constant 0 : i32
    %dma_wait3A_505 = tpu.memref_slice %arg4[%add3A_238, %dma_wait3A_504] : memref<65536x32xf32, #tpu.memory_space<hbm>> -> memref<128x32xf32, #tpu.memory_space<hbm>>
    %dma_wait3A_506 = arith.constant 640 : i32
    %dma_wait3A_507 = arith.constant 0 : i32
    %dma_wait3A_508 = tpu.memref_slice %arg6[%dma_wait3A_506, %dma_wait3A_507] : memref<2048x32xf32, #tpu.memory_space<vmem>> -> memref<128x32xf32, #tpu.memory_space<vmem>>
    tpu.wait_dma2 semaphore(%arg8 : memref<!tpu.dma_semaphore, #tpu.memory_space<semaphore_mem>>) src(%dma_wait3A_508 : memref<128x32xf32, #tpu.memory_space<vmem>>) dst(%dma_wait3A_505 : memref<128x32xf32, #tpu.memory_space<hbm>>)
    %dma_wait3A_509 = arith.constant 768 : i32
    %dma_wait3A_510 = arith.constant 0 : i32
    %dma_wait3A_511 = tpu.memref_slice %arg6[%dma_wait3A_509, %dma_wait3A_510] : memref<2048x32xf32, #tpu.memory_space<vmem>> -> memref<128x32xf32, #tpu.memory_space<vmem>>
    %dma_wait3A_512 = arith.constant 0 : i32
    %dma_wait3A_513 = tpu.memref_slice %arg4[%add3A_258, %dma_wait3A_512] : memref<65536x32xf32, #tpu.memory_space<hbm>> -> memref<128x32xf32, #tpu.memory_space<hbm>>
    %dma_wait3A_514 = arith.constant 0 : i32
    %dma_wait3A_515 = tpu.memref_slice %arg4[%add3A_258, %dma_wait3A_514] : memref<65536x32xf32, #tpu.memory_space<hbm>> -> memref<128x32xf32, #tpu.memory_space<hbm>>
    %dma_wait3A_516 = arith.constant 768 : i32
    %dma_wait3A_517 = arith.constant 0 : i32
    %dma_wait3A_518 = tpu.memref_slice %arg6[%dma_wait3A_516, %dma_wait3A_517] : memref<2048x32xf32, #tpu.memory_space<vmem>> -> memref<128x32xf32, #tpu.memory_space<vmem>>
    tpu.wait_dma2 semaphore(%arg8 : memref<!tpu.dma_semaphore, #tpu.memory_space<semaphore_mem>>) src(%dma_wait3A_518 : memref<128x32xf32, #tpu.memory_space<vmem>>) dst(%dma_wait3A_515 : memref<128x32xf32, #tpu.memory_space<hbm>>)
    %dma_wait3A_519 = arith.constant 896 : i32
    %dma_wait3A_520 = arith.constant 0 : i32
    %dma_wait3A_521 = tpu.memref_slice %arg6[%dma_wait3A_519, %dma_wait3A_520] : memref<2048x32xf32, #tpu.memory_space<vmem>> -> memref<128x32xf32, #tpu.memory_space<vmem>>
    %dma_wait3A_522 = arith.constant 0 : i32
    %dma_wait3A_523 = tpu.memref_slice %arg4[%add3A_278, %dma_wait3A_522] : memref<65536x32xf32, #tpu.memory_space<hbm>> -> memref<128x32xf32, #tpu.memory_space<hbm>>
    %dma_wait3A_524 = arith.constant 0 : i32
    %dma_wait3A_525 = tpu.memref_slice %arg4[%add3A_278, %dma_wait3A_524] : memref<65536x32xf32, #tpu.memory_space<hbm>> -> memref<128x32xf32, #tpu.memory_space<hbm>>
    %dma_wait3A_526 = arith.constant 896 : i32
    %dma_wait3A_527 = arith.constant 0 : i32
    %dma_wait3A_528 = tpu.memref_slice %arg6[%dma_wait3A_526, %dma_wait3A_527] : memref<2048x32xf32, #tpu.memory_space<vmem>> -> memref<128x32xf32, #tpu.memory_space<vmem>>
    tpu.wait_dma2 semaphore(%arg8 : memref<!tpu.dma_semaphore, #tpu.memory_space<semaphore_mem>>) src(%dma_wait3A_528 : memref<128x32xf32, #tpu.memory_space<vmem>>) dst(%dma_wait3A_525 : memref<128x32xf32, #tpu.memory_space<hbm>>)
    %dma_wait3A_529 = arith.constant 1024 : i32
    %dma_wait3A_530 = arith.constant 0 : i32
    %dma_wait3A_531 = tpu.memref_slice %arg6[%dma_wait3A_529, %dma_wait3A_530] : memref<2048x32xf32, #tpu.memory_space<vmem>> -> memref<128x32xf32, #tpu.memory_space<vmem>>
    %dma_wait3A_532 = arith.constant 0 : i32
    %dma_wait3A_533 = tpu.memref_slice %arg4[%add3A_298, %dma_wait3A_532] : memref<65536x32xf32, #tpu.memory_space<hbm>> -> memref<128x32xf32, #tpu.memory_space<hbm>>
    %dma_wait3A_534 = arith.constant 0 : i32
    %dma_wait3A_535 = tpu.memref_slice %arg4[%add3A_298, %dma_wait3A_534] : memref<65536x32xf32, #tpu.memory_space<hbm>> -> memref<128x32xf32, #tpu.memory_space<hbm>>
    %dma_wait3A_536 = arith.constant 1024 : i32
    %dma_wait3A_537 = arith.constant 0 : i32
    %dma_wait3A_538 = tpu.memref_slice %arg6[%dma_wait3A_536, %dma_wait3A_537] : memref<2048x32xf32, #tpu.memory_space<vmem>> -> memref<128x32xf32, #tpu.memory_space<vmem>>
    tpu.wait_dma2 semaphore(%arg8 : memref<!tpu.dma_semaphore, #tpu.memory_space<semaphore_mem>>) src(%dma_wait3A_538 : memref<128x32xf32, #tpu.memory_space<vmem>>) dst(%dma_wait3A_535 : memref<128x32xf32, #tpu.memory_space<hbm>>)
    %dma_wait3A_539 = arith.constant 1152 : i32
    %dma_wait3A_540 = arith.constant 0 : i32
    %dma_wait3A_541 = tpu.memref_slice %arg6[%dma_wait3A_539, %dma_wait3A_540] : memref<2048x32xf32, #tpu.memory_space<vmem>> -> memref<128x32xf32, #tpu.memory_space<vmem>>
    %dma_wait3A_542 = arith.constant 0 : i32
    %dma_wait3A_543 = tpu.memref_slice %arg4[%add3A_318, %dma_wait3A_542] : memref<65536x32xf32, #tpu.memory_space<hbm>> -> memref<128x32xf32, #tpu.memory_space<hbm>>
    %dma_wait3A_544 = arith.constant 0 : i32
    %dma_wait3A_545 = tpu.memref_slice %arg4[%add3A_318, %dma_wait3A_544] : memref<65536x32xf32, #tpu.memory_space<hbm>> -> memref<128x32xf32, #tpu.memory_space<hbm>>
    %dma_wait3A_546 = arith.constant 1152 : i32
    %dma_wait3A_547 = arith.constant 0 : i32
    %dma_wait3A_548 = tpu.memref_slice %arg6[%dma_wait3A_546, %dma_wait3A_547] : memref<2048x32xf32, #tpu.memory_space<vmem>> -> memref<128x32xf32, #tpu.memory_space<vmem>>
    tpu.wait_dma2 semaphore(%arg8 : memref<!tpu.dma_semaphore, #tpu.memory_space<semaphore_mem>>) src(%dma_wait3A_548 : memref<128x32xf32, #tpu.memory_space<vmem>>) dst(%dma_wait3A_545 : memref<128x32xf32, #tpu.memory_space<hbm>>)
    %dma_wait3A_549 = arith.constant 1280 : i32
    %dma_wait3A_550 = arith.constant 0 : i32
    %dma_wait3A_551 = tpu.memref_slice %arg6[%dma_wait3A_549, %dma_wait3A_550] : memref<2048x32xf32, #tpu.memory_space<vmem>> -> memref<128x32xf32, #tpu.memory_space<vmem>>
    %dma_wait3A_552 = arith.constant 0 : i32
    %dma_wait3A_553 = tpu.memref_slice %arg4[%add3A_338, %dma_wait3A_552] : memref<65536x32xf32, #tpu.memory_space<hbm>> -> memref<128x32xf32, #tpu.memory_space<hbm>>
    %dma_wait3A_554 = arith.constant 0 : i32
    %dma_wait3A_555 = tpu.memref_slice %arg4[%add3A_338, %dma_wait3A_554] : memref<65536x32xf32, #tpu.memory_space<hbm>> -> memref<128x32xf32, #tpu.memory_space<hbm>>
    %dma_wait3A_556 = arith.constant 1280 : i32
    %dma_wait3A_557 = arith.constant 0 : i32
    %dma_wait3A_558 = tpu.memref_slice %arg6[%dma_wait3A_556, %dma_wait3A_557] : memref<2048x32xf32, #tpu.memory_space<vmem>> -> memref<128x32xf32, #tpu.memory_space<vmem>>
    tpu.wait_dma2 semaphore(%arg8 : memref<!tpu.dma_semaphore, #tpu.memory_space<semaphore_mem>>) src(%dma_wait3A_558 : memref<128x32xf32, #tpu.memory_space<vmem>>) dst(%dma_wait3A_555 : memref<128x32xf32, #tpu.memory_space<hbm>>)
    %dma_wait3A_559 = arith.constant 1408 : i32
    %dma_wait3A_560 = arith.constant 0 : i32
    %dma_wait3A_561 = tpu.memref_slice %arg6[%dma_wait3A_559, %dma_wait3A_560] : memref<2048x32xf32, #tpu.memory_space<vmem>> -> memref<128x32xf32, #tpu.memory_space<vmem>>
    %dma_wait3A_562 = arith.constant 0 : i32
    %dma_wait3A_563 = tpu.memref_slice %arg4[%add3A_358, %dma_wait3A_562] : memref<65536x32xf32, #tpu.memory_space<hbm>> -> memref<128x32xf32, #tpu.memory_space<hbm>>
    %dma_wait3A_564 = arith.constant 0 : i32
    %dma_wait3A_565 = tpu.memref_slice %arg4[%add3A_358, %dma_wait3A_564] : memref<65536x32xf32, #tpu.memory_space<hbm>> -> memref<128x32xf32, #tpu.memory_space<hbm>>
    %dma_wait3A_566 = arith.constant 1408 : i32
    %dma_wait3A_567 = arith.constant 0 : i32
    %dma_wait3A_568 = tpu.memref_slice %arg6[%dma_wait3A_566, %dma_wait3A_567] : memref<2048x32xf32, #tpu.memory_space<vmem>> -> memref<128x32xf32, #tpu.memory_space<vmem>>
    tpu.wait_dma2 semaphore(%arg8 : memref<!tpu.dma_semaphore, #tpu.memory_space<semaphore_mem>>) src(%dma_wait3A_568 : memref<128x32xf32, #tpu.memory_space<vmem>>) dst(%dma_wait3A_565 : memref<128x32xf32, #tpu.memory_space<hbm>>)
    %dma_wait3A_569 = arith.constant 1536 : i32
    %dma_wait3A_570 = arith.constant 0 : i32
    %dma_wait3A_571 = tpu.memref_slice %arg6[%dma_wait3A_569, %dma_wait3A_570] : memref<2048x32xf32, #tpu.memory_space<vmem>> -> memref<128x32xf32, #tpu.memory_space<vmem>>
    %dma_wait3A_572 = arith.constant 0 : i32
    %dma_wait3A_573 = tpu.memref_slice %arg4[%add3A_378, %dma_wait3A_572] : memref<65536x32xf32, #tpu.memory_space<hbm>> -> memref<128x32xf32, #tpu.memory_space<hbm>>
    %dma_wait3A_574 = arith.constant 0 : i32
    %dma_wait3A_575 = tpu.memref_slice %arg4[%add3A_378, %dma_wait3A_574] : memref<65536x32xf32, #tpu.memory_space<hbm>> -> memref<128x32xf32, #tpu.memory_space<hbm>>
    %dma_wait3A_576 = arith.constant 1536 : i32
    %dma_wait3A_577 = arith.constant 0 : i32
    %dma_wait3A_578 = tpu.memref_slice %arg6[%dma_wait3A_576, %dma_wait3A_577] : memref<2048x32xf32, #tpu.memory_space<vmem>> -> memref<128x32xf32, #tpu.memory_space<vmem>>
    tpu.wait_dma2 semaphore(%arg8 : memref<!tpu.dma_semaphore, #tpu.memory_space<semaphore_mem>>) src(%dma_wait3A_578 : memref<128x32xf32, #tpu.memory_space<vmem>>) dst(%dma_wait3A_575 : memref<128x32xf32, #tpu.memory_space<hbm>>)
    %dma_wait3A_579 = arith.constant 1664 : i32
    %dma_wait3A_580 = arith.constant 0 : i32
    %dma_wait3A_581 = tpu.memref_slice %arg6[%dma_wait3A_579, %dma_wait3A_580] : memref<2048x32xf32, #tpu.memory_space<vmem>> -> memref<128x32xf32, #tpu.memory_space<vmem>>
    %dma_wait3A_582 = arith.constant 0 : i32
    %dma_wait3A_583 = tpu.memref_slice %arg4[%add3A_398, %dma_wait3A_582] : memref<65536x32xf32, #tpu.memory_space<hbm>> -> memref<128x32xf32, #tpu.memory_space<hbm>>
    %dma_wait3A_584 = arith.constant 0 : i32
    %dma_wait3A_585 = tpu.memref_slice %arg4[%add3A_398, %dma_wait3A_584] : memref<65536x32xf32, #tpu.memory_space<hbm>> -> memref<128x32xf32, #tpu.memory_space<hbm>>
    %dma_wait3A_586 = arith.constant 1664 : i32
    %dma_wait3A_587 = arith.constant 0 : i32
    %dma_wait3A_588 = tpu.memref_slice %arg6[%dma_wait3A_586, %dma_wait3A_587] : memref<2048x32xf32, #tpu.memory_space<vmem>> -> memref<128x32xf32, #tpu.memory_space<vmem>>
    tpu.wait_dma2 semaphore(%arg8 : memref<!tpu.dma_semaphore, #tpu.memory_space<semaphore_mem>>) src(%dma_wait3A_588 : memref<128x32xf32, #tpu.memory_space<vmem>>) dst(%dma_wait3A_585 : memref<128x32xf32, #tpu.memory_space<hbm>>)
    %dma_wait3A_589 = arith.constant 1792 : i32
    %dma_wait3A_590 = arith.constant 0 : i32
    %dma_wait3A_591 = tpu.memref_slice %arg6[%dma_wait3A_589, %dma_wait3A_590] : memref<2048x32xf32, #tpu.memory_space<vmem>> -> memref<128x32xf32, #tpu.memory_space<vmem>>
    %dma_wait3A_592 = arith.constant 0 : i32
    %dma_wait3A_593 = tpu.memref_slice %arg4[%add3A_418, %dma_wait3A_592] : memref<65536x32xf32, #tpu.memory_space<hbm>> -> memref<128x32xf32, #tpu.memory_space<hbm>>
    %dma_wait3A_594 = arith.constant 0 : i32
    %dma_wait3A_595 = tpu.memref_slice %arg4[%add3A_418, %dma_wait3A_594] : memref<65536x32xf32, #tpu.memory_space<hbm>> -> memref<128x32xf32, #tpu.memory_space<hbm>>
    %dma_wait3A_596 = arith.constant 1792 : i32
    %dma_wait3A_597 = arith.constant 0 : i32
    %dma_wait3A_598 = tpu.memref_slice %arg6[%dma_wait3A_596, %dma_wait3A_597] : memref<2048x32xf32, #tpu.memory_space<vmem>> -> memref<128x32xf32, #tpu.memory_space<vmem>>
    tpu.wait_dma2 semaphore(%arg8 : memref<!tpu.dma_semaphore, #tpu.memory_space<semaphore_mem>>) src(%dma_wait3A_598 : memref<128x32xf32, #tpu.memory_space<vmem>>) dst(%dma_wait3A_595 : memref<128x32xf32, #tpu.memory_space<hbm>>)
    %dma_wait3A_599 = arith.constant 1920 : i32
    %dma_wait3A_600 = arith.constant 0 : i32
    %dma_wait3A_601 = tpu.memref_slice %arg6[%dma_wait3A_599, %dma_wait3A_600] : memref<2048x32xf32, #tpu.memory_space<vmem>> -> memref<128x32xf32, #tpu.memory_space<vmem>>
    %dma_wait3A_602 = arith.constant 0 : i32
    %dma_wait3A_603 = tpu.memref_slice %arg4[%add3A_438, %dma_wait3A_602] : memref<65536x32xf32, #tpu.memory_space<hbm>> -> memref<128x32xf32, #tpu.memory_space<hbm>>
    %dma_wait3A_604 = arith.constant 0 : i32
    %dma_wait3A_605 = tpu.memref_slice %arg4[%add3A_438, %dma_wait3A_604] : memref<65536x32xf32, #tpu.memory_space<hbm>> -> memref<128x32xf32, #tpu.memory_space<hbm>>
    %dma_wait3A_606 = arith.constant 1920 : i32
    %dma_wait3A_607 = arith.constant 0 : i32
    %dma_wait3A_608 = tpu.memref_slice %arg6[%dma_wait3A_606, %dma_wait3A_607] : memref<2048x32xf32, #tpu.memory_space<vmem>> -> memref<128x32xf32, #tpu.memory_space<vmem>>
    tpu.wait_dma2 semaphore(%arg8 : memref<!tpu.dma_semaphore, #tpu.memory_space<semaphore_mem>>) src(%dma_wait3A_608 : memref<128x32xf32, #tpu.memory_space<vmem>>) dst(%dma_wait3A_605 : memref<128x32xf32, #tpu.memory_space<hbm>>)
    return
  }
}

module attributes {stable_mosaic.version = 14 : i64} {
  func.func @_argmin_body(%arg0: i32, %arg1: memref<1024x32xf32, #tpu.memory_space<vmem>>, %arg2: memref<1024x32xf32, #tpu.memory_space<vmem>>, %arg3: memref<1024x1xf32, #tpu.memory_space<vmem>>, %arg4: memref<1024xi32, #tpu.memory_space<vmem>>, %arg5: memref<1x1xf32, #tpu.memory_space<vmem>>, %arg6: memref<1x1024xf32, #tpu.memory_space<vmem>>, %arg7: memref<1024x1024xf32, #tpu.memory_space<vmem>>) attributes {dimension_semantics = [#tpu.dimension_semantics<arbitrary>], iteration_bounds = array<i64: 64>, scalar_prefetch = 0 : i64, scratch_operands = 2 : i64, tpu.core_type = #tpu.core_type<tc>, window_params = [{transform_indices = @transform_0, window_bounds = array<i64: 1024, 32>}, {pipeline_mode = #tpu.pipeline_mode<synchronous>, transform_indices = @transform_1, window_bounds = array<i64: 1024, 32>}, {pipeline_mode = #tpu.pipeline_mode<synchronous>, transform_indices = @transform_2, window_bounds = array<i64: 1024, 1>}, {transform_indices = @transform_3, window_bounds = array<i64: 1024>}, {pipeline_mode = #tpu.pipeline_mode<synchronous>, transform_indices = @transform_4, window_bounds = array<i64: 1, 1>}]} {
    %eq3A = arith.constant 0 : i32
    %eq3A_0 = arith.cmpi eq, %arg0, %eq3A : i32
    %convert_element_type3A = arith.extui %eq3A_0 : i1 to i32
    %cond3A = arith.constant 0 : i32
    %cond3A_1 = arith.cmpi ne, %convert_element_type3A, %cond3A : i32
    scf.if %cond3A_1 {
      %iota3A = tpu.iota {dimensions = array<i32: 0>} : vector<1024x1024xi32>
      %add3A_41 = arith.constant 1065353216 : i32
      %add3A_42 = vector.broadcast %add3A_41 : i32 to vector<1024x1024xi32>
      %add3A_43 = arith.addi %iota3A, %add3A_42 : vector<1024x1024xi32>
      %bitcast_convert_type3A_44 = tpu.bitcast %add3A_43 : vector<1024x1024xi32> -> vector<1024x1024xf32>
      %swap3A_45 = arith.constant 0 : index
      %swap3A_46 = arith.constant 0 : index
      %swap3A_47 = vector.load %arg7[%swap3A_45, %swap3A_46] : memref<1024x1024xf32, #tpu.memory_space<vmem>>, vector<1024x1024xf32>
      tpu.vector_store %arg7[%swap3A_45, %swap3A_46], %bitcast_convert_type3A_44 {strides = array<i32>} : memref<1024x1024xf32, #tpu.memory_space<vmem>>, vector<1024x1024xf32>,
      %broadcast_in_dim3A_48 = arith.constant 0.000000e+00 : f32
      %broadcast_in_dim3A_49 = vector.broadcast %broadcast_in_dim3A_48 : f32 to vector<1x1024xf32>
      %swap3A_50 = arith.constant 0 : index
      %swap3A_51 = arith.constant 0 : index
      %swap3A_52 = vector.load %arg6[%swap3A_50, %swap3A_51] : memref<1x1024xf32, #tpu.memory_space<vmem>>, vector<1x1024xf32>
      tpu.vector_store %arg6[%swap3A_50, %swap3A_51], %broadcast_in_dim3A_49 {strides = array<i32>} : memref<1x1024xf32, #tpu.memory_space<vmem>>, vector<1x1024xf32>,
    } else {
    }
    %get3A = arith.constant 0 : index
    %get3A_2 = arith.constant 0 : index
    %get3A_3 = vector.load %arg1[%get3A, %get3A_2] : memref<1024x32xf32, #tpu.memory_space<vmem>>, vector<1024x32xf32>
    %get3A_4 = arith.constant 0 : index
    %get3A_5 = arith.constant 0 : index
    %get3A_6 = vector.load %arg2[%get3A_4, %get3A_5] : memref<1024x32xf32, #tpu.memory_space<vmem>>, vector<1024x32xf32>
    %mul3A = arith.mulf %get3A_3, %get3A_3 : vector<1024x32xf32>
    %reduce_sum3A = arith.constant dense<0.000000e+00> : vector<1024xf32>
    %reduce_sum3A_7 = vector.multi_reduction <add>, %mul3A, %reduce_sum3A [1] : vector<1024x32xf32> to vector<1024xf32>
    %broadcast_in_dim3A = vector.shape_cast %reduce_sum3A_7 : vector<1024xf32> to vector<1024x1xf32>
    %transpose3A = tpu.transpose %get3A_3, [1, 0] : vector<1024x32xf32> -> vector<32x1024xf32>
    %dot_general3A = arith.constant dense<0.000000e+00> : vector<1024x1024xf32>
    %dot_general3A_8 = tpu.matmul %get3A_6, %transpose3A, %dot_general3A {dimension_numbers = #tpu.dot_dimension_numbers<[1], [0], [0], [1], [0, 0, 1, 1], [], []>, transpose_lhs_hint = false} : vector<1024x32xf32>, vector<32x1024xf32>, vector<1024x1024xf32> -> vector<1024x1024xf32>
    %transpose3A_9 = tpu.transpose %broadcast_in_dim3A, [1, 0] : vector<1024x1xf32> -> vector<1x1024xf32>
    %add3A = vector.broadcast %transpose3A_9 : vector<1x1024xf32> to vector<1024x1024xf32>
    %add3A_10 = arith.addf %add3A, %dot_general3A_8 : vector<1024x1024xf32>
    %get3A_11 = arith.constant 0 : index
    %get3A_12 = arith.constant 0 : index
    %get3A_13 = vector.load %arg3[%get3A_11, %get3A_12] : memref<1024x1xf32, #tpu.memory_space<vmem>>, vector<1024x1xf32>
    %add3A_14 = vector.broadcast %get3A_13 : vector<1024x1xf32> to vector<1024x1024xf32>
    %add3A_15 = arith.addf %add3A_10, %add3A_14 : vector<1024x1024xf32>
    %reduce_min3A = arith.constant dense<0x7F800000> : vector<1024xf32>
    %reduce_min3A_16 = vector.multi_reduction <minimumf>, %add3A_15, %reduce_min3A [0] : vector<1024x1024xf32> to vector<1024xf32>
    %broadcast_in_dim3A_17 = vector.shape_cast %reduce_min3A_16 : vector<1024xf32> to vector<1x1024xf32>
    %eq3A_18 = vector.broadcast %broadcast_in_dim3A_17 : vector<1x1024xf32> to vector<1024x1024xf32>
    %eq3A_19 = arith.cmpf oeq, %add3A_15, %eq3A_18 : vector<1024x1024xf32>
    %get3A_20 = arith.constant 0 : index
    %get3A_21 = arith.constant 0 : index
    %get3A_22 = vector.load %arg7[%get3A_20, %get3A_21] : memref<1024x1024xf32, #tpu.memory_space<vmem>>, vector<1024x1024xf32>
    %jit3A = arith.constant 2.000000e+00 : f32
    %broadcast_in_dim3A_23 = vector.broadcast %jit3A : f32 to vector<1024x1024xf32>
    %select_n3A = arith.select %eq3A_19, %get3A_22, %broadcast_in_dim3A_23 : vector<1024x1024xi1>, vector<1024x1024xf32>
    %reduce_min3A_24 = arith.constant dense<0x7F800000> : vector<1024xf32>
    %reduce_min3A_25 = vector.multi_reduction <minimumf>, %select_n3A, %reduce_min3A_24 [0] : vector<1024x1024xf32> to vector<1024xf32>
    %bitcast_convert_type3A = tpu.bitcast %reduce_min3A_25 : vector<1024xf32> -> vector<1024xi32>
    %sub3A = arith.constant 1065353216 : i32
    %sub3A_26 = vector.broadcast %sub3A : i32 to vector<1024xi32>
    %sub3A_27 = arith.subi %bitcast_convert_type3A, %sub3A_26 : vector<1024xi32>
    %swap3A = arith.constant 0 : index
    %swap3A_28 = vector.load %arg4[%swap3A] : memref<1024xi32, #tpu.memory_space<vmem>>, vector<1024xi32>
    tpu.vector_store %arg4[%swap3A], %sub3A_27 {strides = array<i32>} : memref<1024xi32, #tpu.memory_space<vmem>>, vector<1024xi32>,
    %get3A_29 = arith.constant 0 : index
    %get3A_30 = arith.constant 0 : index
    %get3A_31 = vector.load %arg6[%get3A_29, %get3A_30] : memref<1x1024xf32, #tpu.memory_space<vmem>>, vector<1x1024xf32>
    %add3A_32 = arith.addf %get3A_31, %broadcast_in_dim3A_17 : vector<1x1024xf32>
    %swap3A_33 = arith.constant 0 : index
    %swap3A_34 = arith.constant 0 : index
    %swap3A_35 = vector.load %arg6[%swap3A_33, %swap3A_34] : memref<1x1024xf32, #tpu.memory_space<vmem>>, vector<1x1024xf32>
    tpu.vector_store %arg6[%swap3A_33, %swap3A_34], %add3A_32 {strides = array<i32>} : memref<1x1024xf32, #tpu.memory_space<vmem>>, vector<1x1024xf32>,
    %eq3A_36 = arith.constant 63 : i32
    %eq3A_37 = arith.cmpi eq, %arg0, %eq3A_36 : i32
    %convert_element_type3A_38 = arith.extui %eq3A_37 : i1 to i32
    %cond3A_39 = arith.constant 0 : i32
    %cond3A_40 = arith.cmpi ne, %convert_element_type3A_38, %cond3A_39 : i32
    scf.if %cond3A_40 {
      %get3A_41 = arith.constant 0 : index
      %get3A_42 = arith.constant 0 : index
      %get3A_43 = vector.load %arg6[%get3A_41, %get3A_42] : memref<1x1024xf32, #tpu.memory_space<vmem>>, vector<1x1024xf32>
      %reduce_sum3A_44 = vector.shape_cast %get3A_43 : vector<1x1024xf32> to vector<1x1x1024xf32>
      %reduce_sum3A_45 = arith.constant dense<0.000000e+00> : vector<1xf32>
      %reduce_sum3A_46 = vector.multi_reduction <add>, %reduce_sum3A_44, %reduce_sum3A_45 [1, 2] : vector<1x1x1024xf32> to vector<1xf32>
      %reduce_sum3A_47 = vector.shape_cast %reduce_sum3A_46 : vector<1xf32> to vector<1x1x1xf32>
      %reduce_sum3A_48 = vector.extract %reduce_sum3A_47[0, 0, 0] : f32 from vector<1x1x1xf32>
      %reshape3A = vector.broadcast %reduce_sum3A_48 : f32 to vector<1x1xf32>
      %mul3A_49 = arith.constant 5.96046448E-7 : f32
      %mul3A_50 = vector.broadcast %mul3A_49 : f32 to vector<1x1xf32>
      %mul3A_51 = arith.mulf %reshape3A, %mul3A_50 : vector<1x1xf32>
      %swap3A_52 = arith.constant 0 : index
      %swap3A_53 = arith.constant 0 : index
      %swap3A_54 = vector.load %arg5[%swap3A_52, %swap3A_53] : memref<1x1xf32, #tpu.memory_space<vmem>>, vector<1x1xf32>
      tpu.vector_store %arg5[%swap3A_52, %swap3A_53], %mul3A_51 {strides = array<i32>} : memref<1x1xf32, #tpu.memory_space<vmem>>, vector<1x1xf32>,
    } else {
    }
    return
  }
  func.func @transform_0(%arg0: i32) -> (i32, i32) {
    %c0_i32 = arith.constant 0 : i32
    %c0_i32_0 = arith.constant 0 : i32
    return %arg0, %c0_i32 : i32, i32
  }
  func.func @transform_1(%arg0: i32) -> (i32, i32) {
    %c0_i32 = arith.constant 0 : i32
    %c0_i32_0 = arith.constant 0 : i32
    %c0_i32_1 = arith.constant 0 : i32
    return %c0_i32, %c0_i32_0 : i32, i32
  }
  func.func @transform_2(%arg0: i32) -> (i32, i32) {
    %c0_i32 = arith.constant 0 : i32
    %c0_i32_0 = arith.constant 0 : i32
    %c0_i32_1 = arith.constant 0 : i32
    return %c0_i32, %c0_i32_0 : i32, i32
  }
  func.func @transform_3(%arg0: i32) -> i32 {
    %c0_i32 = arith.constant 0 : i32
    return %arg0 : i32
  }
  func.func @transform_4(%arg0: i32) -> (i32, i32) {
    %c0_i32 = arith.constant 0 : i32
    %c0_i32_0 = arith.constant 0 : i32
    %c0_i32_1 = arith.constant 0 : i32
    return %c0_i32, %c0_i32_0 : i32, i32
  }
}

</mosaic_0001>

<sc_bundles>
// kernel: kernel.4.cloned.1.call-start
scs
__scs_entry_jumppad:
0x0: {  	(pc) =	sbr.rel $0x88, $3  }
0x1: {  	(tag) =	ssettag $0x0;
	lr =	simm.s32 $0x1  }
0x2: {  	[smem:$0x3F9F] =	sst lr;
	_ =	strace $0xD0000000  }
0x3: {  	_ = 	snop  }
0x4: {  	_ = 	snop  }
0x5: {  	_ = 	snop  }
0x6: {  	_ = 	snop  }
0x7: {  	_ = 	snop  }
__scs_overlays_trampoline_lowered:
0x8: {  	[smem:$0x3FAE] =	sst s0  }
0x9: {  	[smem:$0x3FAF] =	sst s1  }
0xa: {  	[smem:$0x3FB0] =	sst s2  }
0xb: {  	[smem:$0x3FB1] =	sst s3  }
0xc: {  	[smem:$0x3FB2] =	sst s4  }
0xd: {  	[smem:$0x3FB3] =	sst s5  }
0xe: {  	[smem:$0x3FB4] =	sst s6  }
0xf: {  	[smem:$0x3FB5] =	sst s7  }
0x10: {  	[smem:$0x3FB6] =	sst s8  }
0x11: {  	[smem:$0x3FB7] =	sst s9;
	s0 =	simm.s32 @!p0 $0x0  }
0x12: {  	s1 =	sld [smem:$0x3F9D];
	s0 =	simm.s32 @p0 $0x1  }
0x13: {  	[smem:$0x3FB8] =	sst s0;
	s0 =	simm.s32 @!p1 $0x0  }
0x14: {  	s2 =	sld [smem:$0x3F9C];
	s0 =	simm.s32 @p1 $0x1  }
0x15: {  	[smem:$0x3FB9] =	sst s0;
	s0 =	simm.s32 @!p2 $0x0  }
0x16: {  	s3 =	sld [smem:$0x3FDB];
	s0 =	simm.s32 @p2 $0x1  }
0x17: {  	s4 =	simm.s32 $0x1BF5;
	[smem:$0x3FBB] =	sst s0  }
0x18: {  	s0 =	sld [smem:$0x3F9E];
	_ =	swait.ge [sflag:s4], $0x0  }
0x19: {  	s7 =	sld [smem:$0x3F9F]  }
0x1a: {  	s8 =	sadd.s32 $0xFFFFE003, lr  }
0x1b: {  	s9 =	sadd.s32 $0xFFFFFEF7, lr;
	s5 =	simm.s32 $0xFFFFFFFF;
	p2 =	slt.u32 s8, $0xFFFFF086  }
0x1c: {  	p1 =	slt.u32 s9, $0xF7A;
	s5 =	simm.s32 @!p2 $0x0  }
0x1d: {  	s5 =	simm.s32 @p1 $0x1;
	p0 =	seq.s32 s7, s2  }
0x1e: {  	s7 =	smul.u32 @!p0 $0xF7A, s2;
	p2 =	seq.s32 @!p0 s5, $0x0  }
0x1f: {  	s9 =	smul.u32 $0xF7A, s1;
	s8 =	simm.s32 @!p0 $0x1BF5;
	p2 =	por !p2, p0  }
0x20: {  	[sflag:s8] =	ssyncset.s32 @!p0 $0xFFFFF086;
	s6 =	sadd.s32 @!p0 s3, s7;
	s7 =	simm.s32 @!p0 $0x108  }
0x21: {  	s3 =	sadd.s32 s3, s9;
	s6 =	sadd.s32 @!p0 $0x88, s6;
	s7 =	simm.s32 @p2 $0x1082  }
0x22: {  	[simem:s7], [sflag:s8] =	dma.local @!p0 [hbm:s6], $0xF7A  }
0x23: {  	s9 =	sor.u32 $0xD0000000, s2;
	s6 =	simm.s32 $0x108;
	_ =	swait.ge @!p0 [sflag:s8], $0x0  }
0x24: {  	s3 =	sadd.s32 $0x88, s3;
	s6 =	simm.s32 @!p1 $0x1082;
	[sflag:s4] =	ssyncset.s32 $0xFFFFF086  }
0x25: {  	[simem:s6], [sflag:s4] =	dma.local [hbm:s3], $0xF7A  }
0x26: {  	[smem:$0x3F9F] =	sst s1;
	(tag) =	ssettag s2;
	_ =	strace s9  }
0x27: {  	s1 =	sld [smem:$0x3FAF]  }
0x28: {  	s2 =	sld [smem:$0x3FB0]  }
0x29: {  	s4 =	sld [smem:$0x3FB2]  }
0x2a: {  	p0 =	seq.s32 s5, $0x0;
	s5 =	sld [smem:$0x3FB3]  }
0x2b: {  	s6 =	sld [smem:$0x3FB4]  }
0x2c: {  	s7 =	sld [smem:$0x3FB5]  }
0x2d: {  	s3 =	simm.s32 $0x108;
	s8 =	sld [smem:$0x3FB6]  }
0x2e: {  	s3 =	simm.s32 @!p0 $0x1082;
	s9 =	sld [smem:$0x3FB7]  }
0x2f: {  	lr =	sadd.s32 s0, s3;
	s0 =	sld [smem:$0x3FAE]  }
0x30: {  	s3 =	sld [smem:$0x3FB1]  }
0x31: {  	[smem:$0x3FBA] =	sst s10  }
0x32: {  	s10 =	sld [smem:$0x3FB8];
	_ =	sdelay $0x3  }
0x33: {  	p0 =	seq.s32 s10, $0x1;
	s10 =	sld [smem:$0x3FBA];
	_ =	sdelay $0x3  }
0x34: {  	[smem:$0x3FBA] =	sst s10  }
0x35: {  	s10 =	sld [smem:$0x3FB9];
	_ =	sdelay $0x3  }
0x36: {  	p1 =	seq.s32 s10, $0x1;
	s10 =	sld [smem:$0x3FBA];
	_ =	sdelay $0x3  }
0x37: {  	[smem:$0x3FBA] =	sst s10  }
0x38: {  	s10 =	sld [smem:$0x3FBB]  }
0x39: {  	_ = 	snop;
	(pc) =	sbr.ind lr, $3  }
0x3a: {  	_ = 	snop  }
0x3b: {  	_ = 	snop  }
0x3c: {  	p2 =	seq.s32 s10, $0x1;
	s10 =	sld [smem:$0x3FBA]  }
0x3d: {  	_ =	shalt  }
0x3e: {  	_ =	shalt  }
0x3f: {  	_ =	shalt  }
0x40: {  	_ =	shalt  }
0x41: {  	_ =	shalt  }
0x42: {  	_ =	shalt  }
0x43: {  	_ =	shalt  }
0x44: {  	_ =	shalt  }
0x45: {  	_ =	shalt  }
0x46: {  	_ =	shalt  }
0x47: {  	_ =	shalt  }
0x48: {  	_ =	shalt  }
0x49: {  	_ =	shalt  }
0x4a: {  	_ =	shalt  }
0x4b: {  	_ =	shalt  }
0x4c: {  	_ =	shalt  }
0x4d: {  	_ =	shalt  }
0x4e: {  	_ =	shalt  }
0x4f: {  	_ =	shalt  }
0x50: {  	_ =	shalt  }
0x51: {  	_ =	shalt  }
0x52: {  	_ =	shalt  }
0x53: {  	_ =	shalt  }
0x54: {  	_ =	shalt  }
0x55: {  	_ =	shalt  }
0x56: {  	_ =	shalt  }
0x57: {  	_ =	shalt  }
0x58: {  	_ =	shalt  }
0x59: {  	_ =	shalt  }
0x5a: {  	_ =	shalt  }
0x5b: {  	_ =	shalt  }
0x5c: {  	_ =	shalt  }
0x5d: {  	_ =	shalt  }
0x5e: {  	_ =	shalt  }
0x5f: {  	_ =	shalt  }
0x60: {  	_ =	shalt  }
0x61: {  	_ =	shalt  }
0x62: {  	_ =	shalt  }
0x63: {  	_ =	shalt  }
0x64: {  	_ =	shalt  }
0x65: {  	_ =	shalt  }
0x66: {  	_ =	shalt  }
0x67: {  	_ =	shalt  }
0x68: {  	_ =	shalt  }
0x69: {  	_ =	shalt  }
0x6a: {  	_ =	shalt  }
0x6b: {  	_ =	shalt  }
0x6c: {  	_ =	shalt  }
0x6d: {  	_ =	shalt  }
0x6e: {  	_ =	shalt  }
0x6f: {  	_ =	shalt  }
0x70: {  	_ =	shalt  }
0x71: {  	_ =	shalt  }
0x72: {  	_ =	shalt  }
0x73: {  	_ =	shalt  }
0x74: {  	_ =	shalt  }
0x75: {  	_ =	shalt  }
0x76: {  	_ =	shalt  }
0x77: {  	_ =	shalt  }
0x78: {  	_ =	shalt  }
0x79: {  	_ =	shalt  }
0x7a: {  	_ =	shalt  }
0x7b: {  	_ =	shalt  }
0x7c: {  	_ =	shalt  }
0x7d: {  	_ =	shalt  }
0x7e: {  	_ =	shalt  }
0x7f: {  	_ =	shalt  }
0x80: {  	_ =	shalt  }
0x81: {  	_ =	shalt  }
0x82: {  	_ =	shalt  }
0x83: {  	_ =	shalt  }
0x84: {  	_ =	shalt  }
0x85: {  	_ =	shalt  }
0x86: {  	_ =	shalt  }
0x87: {  	_ =	shalt  }
.Lfunc_end0:
.L_simem_size_0:
called_computation_lowered:
.L_overlay_start_0:
0x88: {  	s2 =	sld [smem:$0x3FD9]  }
0x89: {  	s3 =	sld [smem:$0x3FFE];
	_ =	sdelay $0x1  }
0x8a: {  	s1 =	srdreg.scid  }
0x8b: {  	s0 =	sand.u32 $0x1, s1  }
0x8c: {  	s14 =	sshll.u32 s0, $0xA;
	s2 =	sadd.s32 s3, s2  }
0x8d: {  	s2 =	sadd.s32 s2, s14  }
0x8e: {  	[smem:$0x3FC6] =	sst s2  }
0x8f: {  	_ = 	snop  }
0x90: {  	s2 =	sld [smem:$0x3FD0];
	_ =	sdelay $0x2  }
0x91: {  	s15 =	simm.s32 $0xA;
	s4 =	simm.s32 $0x10  }
0x92: {  	[smem:s4], [sflag:s15] =	dma.local [hbm:s2], $0x1  }
0x93: {  	_ =	swait.eq [sflag:s15], $0x1  }
0x94: {  	[sflag:s15] =	ssyncset.done $0x0  }
0x95: {  	[sflag:s15] =	ssyncadd.s32 $0xFFFFFFFF  }
0x96: {  	s16 =	sld [smem:$0x10];
	(tm) =	ssettm $0x1  }
0x97: {  	s17 =	sld [smem:$0x3FFB];
	_ =	sdelay $0x3  }
0x98: {  	_ =	strace s17  }
0x99: {  	s3 =	sld [smem:$0x3FFC];
	_ =	sdelay $0x3  }
0x9a: {  	_ =	strace s3  }
0x9b: {  	s3 =	sld [smem:$0x3FFD];
	_ =	sdelay $0x3  }
0x9c: {  	_ =	strace s3  }
0x9d: {  	_ =	strace $0x8FFFFFFF  }
0x9e: {  	s18 =	sld [smem:$0x3FDB];
	_ =	sdelay $0x1  }
0x9f: {  	s19 =	simm.s32 $_scs_section_size  }
0xa0: {  	s5 =	simm.s32 $_size__tile_overlayer_lowered;
	s6 =	simm.s32 $_tile_overlayer_lowered  }
0xa1: {  	s22 =	simm.s32 $0x1BFF;
	s21 =	sshll.u32 s6, $0x1;
	s3 =	sadd.s32 s19, s18  }
0xa2: {  	s7 =	simm.s32 $0x0;
	s20 =	sshll.u32 s5, $0x1;
	s5 =	sadd.s32 s21, s3  }
0xa3: {  	[timem:s7], [sflag:s22] =	dma.local [hbm:s5], s20  }
0xa4: {  	_ =	swait.ge [sflag:s22], s20  }
0xa5: {  	s4 =	ssub.s32 $0x0, s20;
	[sflag:s22] =	ssyncset.done $0x0  }
0xa6: {  	[sflag:s22] =	ssyncadd.s32 s4;
	_ =	sdelay $0x1  }
0xa7: {  	s23 =	simm.s32 $0x1B8B  }
0xa8: {  	_ =	swait.ge [sflag:s23], $0x1  }
0xa9: {  	[sflag:s23] =	ssyncset.done $0x0  }
0xaa: {  	s25 =	simm.s32 $0x1B8E;
	s24 =	sld [smem:$0x3FFE];
	[sflag:s23] =	ssyncadd.s32 $0xFFFFFFFF  }
0xab: {  	s26 =	simm.s32 $execute0_lowered;
	[smem:$0x3FD2] =	sst s25  }
0xac: {  	s5 =	sshll.u32 s26, $0x1;
	_ =	strace $0x80000046;
	[dreg:$0x1] =	wrdreg $0xFFFFFFFF  }
0xad: {  	s28 =	simm.s32 $_size_execute0_lowered;
	s3 =	sadd.s32 s3, s5;
	[dreg:$0x0] =	wrdreg $0x0  }
0xae: {  	s5 =	sshll.u32 s28, $0x1;
	[dreg:$0x2] =	wrdreg s3  }
0xaf: {  	[dreg:$0x3] =	wrdreg s5  }
0xb0: {  	[dreg:$0x4] =	wrdreg $0xC0  }
0xb1: {  	_ =	task [dreg:s7], $0x5FFFF  }
0xb2: {  	[dreg:$0x1] =	wrdreg $0xFFFFFFFF  }
0xb3: {  	[dreg:$0x0] =	wrdreg $0x60  }
0xb4: {  	[dreg:$0x2] =	wrdreg s24  }
0xb5: {  	[dreg:$0x3] =	wrdreg s16  }
0xb6: {  	[dreg:$0x4] =	wrdreg $0x9  }
0xb7: {  	_ =	task.clear_ibuf [dreg:s7], $0x5FFFF;
	_ =	strace $0x90000046  }
0xb8: {  	s29 =	simm.s32 $0x9;
	_ =	strace $0x80000048  }
0xb9: {  	_ =	swait.ge [sflag:s29], $0x1  }
0xba: {  	[sflag:s29] =	ssyncadd.s32 $0xFFFFFFFF  }
0xbb: {  	_ =	strace $0x90000048  }
0xbc: {  	_ =	sfence  }
0xbd: {  	s30 =	sld [smem:$0x0];
	_ =	sdelay $0x2  }
0xbe: {  	s31 =	sshll.u32 s1, $0xD;
	s1 =	sshrl.u32 s1, $0x2  }
0xbf: {  	s3 =	sand.u32 $0x4000, s31;
	s1 =	sadd.s32 s1, s30  }
0xc0: {  	s0 =	sor.u32 s3, s0;
	s1 =	sshll.u32 s1, $0x11  }
0xc1: {  	s0 =	sor.u32 s1, s0  }
0xc2: {  	s0 =	sadd.s32 $0x8F2B, s0  }
0xc3: {  	[sflag:s0] =	ssyncadd.remote.s32 $0x1  }
0xc4: {  	_ =	sfence.sel $0xFFFF  }
0xc5: {  	[dreg:$0x0] =	wrdreg $0xFFFFFFFF;
	(pc) =	sbr.abs _section_cstart, $3  }
0xc6: {  	[dreg:$0x1] =	wrdreg $0xFFFFFFFF  }
0xc7: {  	_ =	task.clear_ibuf [dreg:s7], $0x2FFFF;
	_ =	strace $0x9FFFFFFF  }
0xc8: {  	(tm) =	ssettm $0x7FFFFFFF  }
0xc9: {  	_ =	shalt  }
tec
execute0_lowered:
.L_overlay_start_1:
0x0: {  	(tag) =	ssettag $0x1  }
0x1: {  	s0 =	srdreg.scid;
	s1 =	rddreg [dreg:$0x0]  }
0x2: {  	s2 =	stileid.u32;
	s4 =	rddreg [dreg:$0x1];
	s9 =	simm.s32 $0x100  }
0x3: {  	s10 =	simm.s32 $0x180;
	s11 =	simm.s32 $0x200;
	s0 =	sand.u32 $0x1, s0  }
0x4: {  	s12 =	simm.s32 $0x280;
	s2 =	sshll.u32 s2, $0xC;
	s3 =	sshll.u32 s0, $0xB  }
0x5: {  	s13 =	simm.s32 $0x300;
	s3 =	sor.u32 s3, s2;
	s2 =	simm.s32 $0x0  }
0x6: {  	s14 =	simm.s32 $0x380;
	s15 =	simm.s32 $0x6800;
	[smem:$0x7FF] =	sst s2  }
0x7: {  	s28 =	simm.s32 $0x580;
	_ =	strace $0x80000047;
	[dreg:$0x13] =	wrdreg s9  }
0x8: {  	s29 =	simm.s32 $0x600;
	s30 =	simm.s32 $0x680;
	[dreg:$0x14] =	wrdreg s10  }
0x9: {  	p0 =	por $0x0, $0x0;
	s31 =	simm.s32 $0x700;
	[dreg:$0x15] =	wrdreg s11  }
0xa: {  	s16 =	sadd.s32 $0x600, s1;
	s5 =	sshrl.u32 s3, $0x3;
	[dreg:$0x16] =	wrdreg s12  }
0xb: {  	s3 =	sshll.u32 s3, $0x2;
	s5 =	sadd.s32 s5, s1;
	[dreg:$0x17] =	wrdreg s13  }
0xc: {  	s4 =	sadd.s32 s4, s3;
	[dreg:$0x18] =	wrdreg s14;
	s5 =	sadd.s32 $0x1600, s5  }
0xd: {  	s0 =	ssub.s32 $0x2, s0;
	s3 =	sadd.s32 $0x200, s4;
	[dreg:$0x3] =	wrdreg s5  }
0xe: {  	s6 =	sshrl.u32 s0, $0x1;
	s17 =	sadd.s32 $0x400, s4;
	[dreg:$0x4] =	wrdreg s3  }
0xf: {  	s0 =	ssub.s32 s0, s6;
	s18 =	sadd.s32 $0x600, s4;
	[dreg:$0x5] =	wrdreg s17  }
0x10: {  	s6 =	simm.s32 $0x1;
	s19 =	sadd.s32 $0x800, s4;
	[dreg:$0x6] =	wrdreg s18  }
0x11: {  	s0 =	smax.u32 s0, $0x1;
	s20 =	sadd.s32 $0xA00, s4;
	[dreg:$0x7] =	wrdreg s19  }
0x12: {  	s14 =	simm.s32 $0x7800;
	s21 =	sadd.s32 $0xC00, s4;
	[dreg:$0x8] =	wrdreg s20  }
0x13: {  	s13 =	simm.s32 $0x8800;
	s22 =	sadd.s32 $0xE00, s4;
	[dreg:$0x9] =	wrdreg s21  }
0x14: {  	s12 =	simm.s32 $0x9800;
	s23 =	sadd.s32 $0x1000, s4;
	[dreg:$0xa] =	wrdreg s22  }
0x15: {  	s11 =	simm.s32 $0xA800;
	s24 =	sadd.s32 $0x1200, s4;
	[dreg:$0xb] =	wrdreg s23  }
0x16: {  	s10 =	simm.s32 $0xB800;
	s25 =	sadd.s32 $0x1400, s4;
	[dreg:$0xc] =	wrdreg s24  }
0x17: {  	s9 =	simm.s32 $0xC800;
	s26 =	sadd.s32 $0x1600, s4;
	[dreg:$0xd] =	wrdreg s25  }
0x18: {  	s7 =	sadd.s32 $0x1C00, s4;
	s8 =	sadd.s32 $0x1E00, s4;
	[dreg:$0xe] =	wrdreg s26  }
0x19: {  	p1 =	sne.s32 s0, $0x1;
	s3 =	sadd.s32 $0x1800, s4;
	[dreg:$0x11] =	wrdreg s7  }
0x1a: {  	s5 =	sadd.s32 $0x1A00, s4;
	[dreg:$0x12] =	wrdreg s8;
	s24 =	simm.s32 $0x3  }
0x1b: {  	s23 =	simm.s32 $0x80;
	s22 =	simm.s32 $0x800;
	s21 =	simm.s32 $0x1800  }
0x1c: {  	s20 =	simm.s32 $0x2800;
	s19 =	simm.s32 $0x3800;
	s18 =	simm.s32 $0x4800  }
.Ltmp0:
0x1d: {  	s17 =	simm.s32 $0x5800;
	[dreg:$0xf] =	wrdreg s3;
	(pc) =	sbr.rel @!p1 .LBB2_1-.Ltmp0, $4  }
0x1e: {  	s25 =	simm.s32 $0x400;
	s26 =	simm.s32 $0x480;
	[dreg:$0x10] =	wrdreg s5  }
0x1f: {  	s7 =	simm.s32 $0xD800;
	s8 =	simm.s32 $0xE800;
	[dreg:$0x19] =	wrdreg s25  }
0x20: {  	[dreg:$0x1a] =	wrdreg s26;
	s25 =	sadd.s32 $0xFFFFFFFF, s0;
	s26 =	simm.s32 $0x780  }
0x21: {  	s5 =	simm.s32 $0xF800;
	s3 =	simm.s32 $0x2;
	s0 =	rddreg [dreg:$0x3]  }
0x22: {  	[tilespmem:s2], [sflag:$0x3] =	stream.linear.gather [hbm4b:s0+s2], $0x800, $0x38;
	[tilespmem:$0x10800] =	vst v63  }
0x23: {  	_ =	swait.ge [sflag:s24], $0x800  }
0x24: {  	[sflag:s24] =	ssyncset.done $0x0  }
0x25: {  	[sflag:s24] =	ssyncadd.s32 $0xFFFFF800  }
0x26: {  	[tilespmem:s22], [sflag:$0x1] =	stream.indirect.gather [hbm4b:s16+s23], $0x20, s2, s23, $0xb8;
	[tilespmem:$0x10800] =	vst v63  }
0x27: {  	_ = 	snop  }
0x28: {  	[tilespmem:s21], [sflag:$0x1] =	stream.indirect.gather [hbm4b:s16+s23], $0x20, s23, s23, $0xb8;
	[tilespmem:$0x10800] =	vst v63  }
0x29: {  	s0 =	rddreg [dreg:$0x13]  }
0x2a: {  	[tilespmem:s20], [sflag:$0x1] =	stream.indirect.gather [hbm4b:s16+s23], $0x20, s0, s23, $0xb8;
	[tilespmem:$0x10800] =	vst v63  }
0x2b: {  	s1 =	rddreg [dreg:$0x14]  }
0x2c: {  	[tilespmem:s19], [sflag:$0x1] =	stream.indirect.gather [hbm4b:s16+s23], $0x20, s1, s23, $0xb8;
	[tilespmem:$0x10800] =	vst v63  }
0x2d: {  	s0 =	rddreg [dreg:$0x15]  }
0x2e: {  	[tilespmem:s18], [sflag:$0x1] =	stream.indirect.gather [hbm4b:s16+s23], $0x20, s0, s23, $0xb8;
	[tilespmem:$0x10800] =	vst v63  }
0x2f: {  	s1 =	rddreg [dreg:$0x16]  }
0x30: {  	[tilespmem:s17], [sflag:$0x1] =	stream.indirect.gather [hbm4b:s16+s23], $0x20, s1, s23, $0xb8;
	[tilespmem:$0x10800] =	vst v63  }
0x31: {  	s0 =	rddreg [dreg:$0x17]  }
0x32: {  	[tilespmem:s15], [sflag:$0x1] =	stream.indirect.gather [hbm4b:s16+s23], $0x20, s0, s23, $0xb8;
	[tilespmem:$0x10800] =	vst v63  }
0x33: {  	s1 =	rddreg [dreg:$0x18]  }
0x34: {  	[tilespmem:s14], [sflag:$0x1] =	stream.indirect.gather [hbm4b:s16+s23], $0x20, s1, s23, $0xb8;
	[tilespmem:$0x10800] =	vst v63  }
0x35: {  	s0 =	rddreg [dreg:$0x19]  }
0x36: {  	[tilespmem:s13], [sflag:$0x1] =	stream.indirect.gather [hbm4b:s16+s23], $0x20, s0, s23, $0xb8;
	[tilespmem:$0x10800] =	vst v63  }
0x37: {  	s1 =	rddreg [dreg:$0x1a]  }
0x38: {  	[tilespmem:s12], [sflag:$0x1] =	stream.indirect.gather [hbm4b:s16+s23], $0x20, s1, s23, $0xb8;
	[tilespmem:$0x10800] =	vst v63  }
0x39: {  	s1 =	simm.s32 $0x500  }
0x3a: {  	[tilespmem:s11], [sflag:$0x1] =	stream.indirect.gather [hbm4b:s16+s23], $0x20, s1, s23, $0xb8;
	[tilespmem:$0x10800] =	vst v63  }
0x3b: {  	_ = 	snop  }
0x3c: {  	[tilespmem:s10], [sflag:$0x1] =	stream.indirect.gather [hbm4b:s16+s23], $0x20, s28, s23, $0xb8;
	[tilespmem:$0x10800] =	vst v63  }
0x3d: {  	_ = 	snop  }
0x3e: {  	[tilespmem:s9], [sflag:$0x1] =	stream.indirect.gather [hbm4b:s16+s23], $0x20, s29, s23, $0xb8;
	[tilespmem:$0x10800] =	vst v63  }
0x3f: {  	_ = 	snop  }
0x40: {  	[tilespmem:s7], [sflag:$0x1] =	stream.indirect.gather [hbm4b:s16+s23], $0x20, s30, s23, $0xb8;
	[tilespmem:$0x10800] =	vst v63  }
0x41: {  	_ = 	snop  }
0x42: {  	[tilespmem:s8], [sflag:$0x1] =	stream.indirect.gather [hbm4b:s16+s23], $0x20, s31, s23, $0xb8;
	[tilespmem:$0x10800] =	vst v63  }
0x43: {  	_ = 	snop  }
0x44: {  	[tilespmem:s5], [sflag:$0x1] =	stream.indirect.gather [hbm4b:s16+s23], $0x20, s26, s23, $0xb8;
	[tilespmem:$0x10800] =	vst v63  }
0x45: {  	_ =	swait.ge [sflag:s6], $0x1000  }
0x46: {  	[sflag:s6] =	ssyncset.done $0x0  }
0x47: {  	[sflag:s6] =	ssyncadd.s32 $0xFFFFF000  }
0x48: {  	[hbm4b:s4+s2] =	stream.linear.scatter [tilespmem:s22], [sflag:$0x2], $0x1000, $0x38;
	[tilespmem:$0x10800] =	vst v63  }
0x49: {  	_ =	swait.ge [sflag:s6], $0x1000  }
0x4a: {  	[sflag:s6] =	ssyncset.done $0x0  }
0x4b: {  	s1 =	rddreg [dreg:$0x4];
	[sflag:s6] =	ssyncadd.s32 $0xFFFFF000  }
0x4c: {  	[hbm4b:s1+s2] =	stream.linear.scatter [tilespmem:s21], [sflag:$0x2], $0x1000, $0x38;
	[tilespmem:$0x10800] =	vst v63  }
0x4d: {  	_ =	swait.ge [sflag:s6], $0x1000  }
0x4e: {  	[sflag:s6] =	ssyncset.done $0x0  }
0x4f: {  	s1 =	rddreg [dreg:$0x5];
	[sflag:s6] =	ssyncadd.s32 $0xFFFFF000  }
0x50: {  	[hbm4b:s1+s2] =	stream.linear.scatter [tilespmem:s20], [sflag:$0x2], $0x1000, $0x38;
	[tilespmem:$0x10800] =	vst v63  }
0x51: {  	_ =	swait.ge [sflag:s6], $0x1000  }
0x52: {  	[sflag:s6] =	ssyncset.done $0x0  }
0x53: {  	s1 =	rddreg [dreg:$0x6];
	[sflag:s6] =	ssyncadd.s32 $0xFFFFF000  }
0x54: {  	[hbm4b:s1+s2] =	stream.linear.scatter [tilespmem:s19], [sflag:$0x2], $0x1000, $0x38;
	[tilespmem:$0x10800] =	vst v63  }
0x55: {  	_ =	swait.ge [sflag:s6], $0x1000  }
0x56: {  	[sflag:s6] =	ssyncset.done $0x0  }
0x57: {  	s1 =	rddreg [dreg:$0x7];
	[sflag:s6] =	ssyncadd.s32 $0xFFFFF000  }
0x58: {  	[hbm4b:s1+s2] =	stream.linear.scatter [tilespmem:s18], [sflag:$0x2], $0x1000, $0x38;
	[tilespmem:$0x10800] =	vst v63  }
0x59: {  	_ =	swait.ge [sflag:s6], $0x1000  }
0x5a: {  	[sflag:s6] =	ssyncset.done $0x0  }
0x5b: {  	s1 =	rddreg [dreg:$0x8];
	[sflag:s6] =	ssyncadd.s32 $0xFFFFF000  }
0x5c: {  	[hbm4b:s1+s2] =	stream.linear.scatter [tilespmem:s17], [sflag:$0x2], $0x1000, $0x38;
	[tilespmem:$0x10800] =	vst v63  }
0x5d: {  	_ =	swait.ge [sflag:s6], $0x1000  }
0x5e: {  	[sflag:s6] =	ssyncset.done $0x0  }
0x5f: {  	s1 =	rddreg [dreg:$0x9];
	[sflag:s6] =	ssyncadd.s32 $0xFFFFF000  }
0x60: {  	[hbm4b:s1+s2] =	stream.linear.scatter [tilespmem:s15], [sflag:$0x2], $0x1000, $0x38;
	[tilespmem:$0x10800] =	vst v63  }
0x61: {  	_ =	swait.ge [sflag:s6], $0x1000  }
0x62: {  	[sflag:s6] =	ssyncset.done $0x0  }
0x63: {  	s1 =	rddreg [dreg:$0xa];
	[sflag:s6] =	ssyncadd.s32 $0xFFFFF000  }
0x64: {  	[hbm4b:s1+s2] =	stream.linear.scatter [tilespmem:s14], [sflag:$0x2], $0x1000, $0x38;
	[tilespmem:$0x10800] =	vst v63  }
0x65: {  	_ =	swait.ge [sflag:s6], $0x1000  }
0x66: {  	[sflag:s6] =	ssyncset.done $0x0  }
0x67: {  	s1 =	rddreg [dreg:$0xb];
	[sflag:s6] =	ssyncadd.s32 $0xFFFFF000  }
0x68: {  	[hbm4b:s1+s2] =	stream.linear.scatter [tilespmem:s13], [sflag:$0x2], $0x1000, $0x38;
	[tilespmem:$0x10800] =	vst v63  }
0x69: {  	_ =	swait.ge [sflag:s6], $0x1000  }
0x6a: {  	[sflag:s6] =	ssyncset.done $0x0  }
0x6b: {  	s1 =	rddreg [dreg:$0xc];
	[sflag:s6] =	ssyncadd.s32 $0xFFFFF000  }
0x6c: {  	[hbm4b:s1+s2] =	stream.linear.scatter [tilespmem:s12], [sflag:$0x2], $0x1000, $0x38;
	[tilespmem:$0x10800] =	vst v63  }
0x6d: {  	_ =	swait.ge [sflag:s6], $0x1000  }
0x6e: {  	[sflag:s6] =	ssyncset.done $0x0  }
0x6f: {  	s1 =	rddreg [dreg:$0xd];
	[sflag:s6] =	ssyncadd.s32 $0xFFFFF000  }
0x70: {  	[hbm4b:s1+s2] =	stream.linear.scatter [tilespmem:s11], [sflag:$0x2], $0x1000, $0x38;
	[tilespmem:$0x10800] =	vst v63  }
0x71: {  	_ =	swait.ge [sflag:s6], $0x1000  }
0x72: {  	[sflag:s6] =	ssyncset.done $0x0  }
0x73: {  	s1 =	rddreg [dreg:$0xe];
	[sflag:s6] =	ssyncadd.s32 $0xFFFFF000  }
0x74: {  	[hbm4b:s1+s2] =	stream.linear.scatter [tilespmem:s10], [sflag:$0x2], $0x1000, $0x38;
	[tilespmem:$0x10800] =	vst v63  }
0x75: {  	_ =	swait.ge [sflag:s6], $0x1000  }
0x76: {  	[sflag:s6] =	ssyncset.done $0x0  }
0x77: {  	s1 =	rddreg [dreg:$0xf];
	[sflag:s6] =	ssyncadd.s32 $0xFFFFF000  }
0x78: {  	[hbm4b:s1+s2] =	stream.linear.scatter [tilespmem:s9], [sflag:$0x2], $0x1000, $0x38;
	[tilespmem:$0x10800] =	vst v63  }
0x79: {  	_ =	swait.ge [sflag:s6], $0x1000  }
0x7a: {  	[sflag:s6] =	ssyncset.done $0x0  }
0x7b: {  	s1 =	rddreg [dreg:$0x10];
	[sflag:s6] =	ssyncadd.s32 $0xFFFFF000  }
0x7c: {  	[hbm4b:s1+s2] =	stream.linear.scatter [tilespmem:s7], [sflag:$0x2], $0x1000, $0x38;
	[tilespmem:$0x10800] =	vst v63  }
0x7d: {  	_ =	swait.ge [sflag:s6], $0x1000  }
0x7e: {  	[sflag:s6] =	ssyncset.done $0x0  }
0x7f: {  	s1 =	rddreg [dreg:$0x11];
	[sflag:s6] =	ssyncadd.s32 $0xFFFFF000  }
0x80: {  	[hbm4b:s1+s2] =	stream.linear.scatter [tilespmem:s8], [sflag:$0x2], $0x1000, $0x38;
	[tilespmem:$0x10800] =	vst v63  }
0x81: {  	_ =	swait.ge [sflag:s6], $0x1000  }
0x82: {  	[sflag:s6] =	ssyncset.done $0x0  }
0x83: {  	s1 =	rddreg [dreg:$0x12];
	[sflag:s6] =	ssyncadd.s32 $0xFFFFF000  }
0x84: {  	[hbm4b:s1+s2] =	stream.linear.scatter [tilespmem:s5], [sflag:$0x2], $0x1000, $0x38;
	[tilespmem:$0x10800] =	vst v63  }
0x85: {  	_ =	swait.ge [sflag:s3], $0x1000  }
0x86: {  	[sflag:s3] =	ssyncset.done $0x0  }
0x87: {  	[sflag:s3] =	ssyncadd.s32 $0xFFFFF000  }
0x88: {  	_ =	swait.ge [sflag:s3], $0x1000  }
0x89: {  	[sflag:s3] =	ssyncset.done $0x0  }
0x8a: {  	[sflag:s3] =	ssyncadd.s32 $0xFFFFF000  }
0x8b: {  	_ =	swait.ge [sflag:s3], $0x1000  }
0x8c: {  	[sflag:s3] =	ssyncset.done $0x0  }
0x8d: {  	[sflag:s3] =	ssyncadd.s32 $0xFFFFF000  }
0x8e: {  	_ =	swait.ge [sflag:s3], $0x1000  }
0x8f: {  	[sflag:s3] =	ssyncset.done $0x0  }
0x90: {  	[sflag:s3] =	ssyncadd.s32 $0xFFFFF000  }
0x91: {  	_ =	swait.ge [sflag:s3], $0x1000  }
0x92: {  	[sflag:s3] =	ssyncset.done $0x0  }
0x93: {  	[sflag:s3] =	ssyncadd.s32 $0xFFFFF000  }
0x94: {  	_ =	swait.ge [sflag:s3], $0x1000  }
0x95: {  	[sflag:s3] =	ssyncset.done $0x0  }
0x96: {  	[sflag:s3] =	ssyncadd.s32 $0xFFFFF000  }
0x97: {  	_ =	swait.ge [sflag:s3], $0x1000  }
0x98: {  	[sflag:s3] =	ssyncset.done $0x0  }
0x99: {  	[sflag:s3] =	ssyncadd.s32 $0xFFFFF000  }
0x9a: {  	_ =	swait.ge [sflag:s3], $0x1000  }
0x9b: {  	[sflag:s3] =	ssyncset.done $0x0  }
0x9c: {  	[sflag:s3] =	ssyncadd.s32 $0xFFFFF000  }
0x9d: {  	_ =	swait.ge [sflag:s3], $0x1000  }
0x9e: {  	[sflag:s3] =	ssyncset.done $0x0  }
0x9f: {  	[sflag:s3] =	ssyncadd.s32 $0xFFFFF000  }
0xa0: {  	_ =	swait.ge [sflag:s3], $0x1000  }
0xa1: {  	[sflag:s3] =	ssyncset.done $0x0  }
0xa2: {  	[sflag:s3] =	ssyncadd.s32 $0xFFFFF000  }
0xa3: {  	_ =	swait.ge [sflag:s3], $0x1000  }
0xa4: {  	[sflag:s3] =	ssyncset.done $0x0  }
0xa5: {  	[sflag:s3] =	ssyncadd.s32 $0xFFFFF000  }
0xa6: {  	_ =	swait.ge [sflag:s3], $0x1000  }
0xa7: {  	[sflag:s3] =	ssyncset.done $0x0  }
0xa8: {  	[sflag:s3] =	ssyncadd.s32 $0xFFFFF000  }
0xa9: {  	_ =	swait.ge [sflag:s3], $0x1000  }
0xaa: {  	[sflag:s3] =	ssyncset.done $0x0  }
0xab: {  	[sflag:s3] =	ssyncadd.s32 $0xFFFFF000  }
0xac: {  	_ =	swait.ge [sflag:s3], $0x1000  }
0xad: {  	[sflag:s3] =	ssyncset.done $0x0  }
0xae: {  	p1 =	sne.s32 s25, $0x1;
	[sflag:s3] =	ssyncadd.s32 $0xFFFFF000  }
.Ltmp1:
0xaf: {  	_ =	swait.ge [sflag:s3], $0x1000;
	(pc) =	sbr.rel @!p1 .LBB2_3-.Ltmp1, $4  }
0xb0: {  	[sflag:s3] =	ssyncset.done $0x0  }
0xb1: {  	[sflag:s3] =	ssyncadd.s32 $0xFFFFF000  }
0xb2: {  	p0 =	por $0x1, $0x1;
	_ =	swait.ge [sflag:s3], $0x1000  }
0xb3: {  	s1 =	sadd.s32 $0xFFFFFFFF, s25;
	s0 =	rddreg [dreg:$0x3];
	[sflag:s3] =	ssyncset.done $0x0  }
.LBB2_4:
0xb4: {  	[sflag:s3] =	ssyncadd.s32 $0xFFFFF000  }
0xb5: {  	[tilespmem:s2], [sflag:$0x3] =	stream.linear.gather [hbm4b:s0+s2], $0x800, $0x38;
	[tilespmem:$0x10800] =	vst v63  }
0xb6: {  	_ =	swait.ge [sflag:s24], $0x800  }
0xb7: {  	[sflag:s24] =	ssyncset.done $0x0  }
0xb8: {  	[sflag:s24] =	ssyncadd.s32 $0xFFFFF800  }
0xb9: {  	[tilespmem:s22], [sflag:$0x1] =	stream.indirect.gather [hbm4b:s16+s23], $0x20, s2, s23, $0xb8;
	[tilespmem:$0x10800] =	vst v63  }
0xba: {  	_ = 	snop  }
0xbb: {  	[tilespmem:s21], [sflag:$0x1] =	stream.indirect.gather [hbm4b:s16+s23], $0x20, s23, s23, $0xb8;
	[tilespmem:$0x10800] =	vst v63  }
0xbc: {  	s0 =	rddreg [dreg:$0x13]  }
0xbd: {  	[tilespmem:s20], [sflag:$0x1] =	stream.indirect.gather [hbm4b:s16+s23], $0x20, s0, s23, $0xb8;
	[tilespmem:$0x10800] =	vst v63  }
0xbe: {  	s25 =	rddreg [dreg:$0x14]  }
0xbf: {  	[tilespmem:s19], [sflag:$0x1] =	stream.indirect.gather [hbm4b:s16+s23], $0x20, s25, s23, $0xb8;
	[tilespmem:$0x10800] =	vst v63  }
0xc0: {  	s0 =	rddreg [dreg:$0x15]  }
0xc1: {  	[tilespmem:s18], [sflag:$0x1] =	stream.indirect.gather [hbm4b:s16+s23], $0x20, s0, s23, $0xb8;
	[tilespmem:$0x10800] =	vst v63  }
0xc2: {  	s25 =	rddreg [dreg:$0x16]  }
0xc3: {  	[tilespmem:s17], [sflag:$0x1] =	stream.indirect.gather [hbm4b:s16+s23], $0x20, s25, s23, $0xb8;
	[tilespmem:$0x10800] =	vst v63  }
0xc4: {  	s0 =	rddreg [dreg:$0x17]  }
0xc5: {  	[tilespmem:s15], [sflag:$0x1] =	stream.indirect.gather [hbm4b:s16+s23], $0x20, s0, s23, $0xb8;
	[tilespmem:$0x10800] =	vst v63  }
0xc6: {  	s25 =	rddreg [dreg:$0x18]  }
0xc7: {  	[tilespmem:s14], [sflag:$0x1] =	stream.indirect.gather [hbm4b:s16+s23], $0x20, s25, s23, $0xb8;
	[tilespmem:$0x10800] =	vst v63  }
0xc8: {  	s0 =	rddreg [dreg:$0x19]  }
0xc9: {  	[tilespmem:s13], [sflag:$0x1] =	stream.indirect.gather [hbm4b:s16+s23], $0x20, s0, s23, $0xb8;
	[tilespmem:$0x10800] =	vst v63  }
0xca: {  	s25 =	rddreg [dreg:$0x1a]  }
0xcb: {  	[tilespmem:s12], [sflag:$0x1] =	stream.indirect.gather [hbm4b:s16+s23], $0x20, s25, s23, $0xb8;
	[tilespmem:$0x10800] =	vst v63  }
0xcc: {  	s25 =	simm.s32 $0x500  }
0xcd: {  	[tilespmem:s11], [sflag:$0x1] =	stream.indirect.gather [hbm4b:s16+s23], $0x20, s25, s23, $0xb8;
	[tilespmem:$0x10800] =	vst v63  }
0xce: {  	_ = 	snop  }
0xcf: {  	[tilespmem:s10], [sflag:$0x1] =	stream.indirect.gather [hbm4b:s16+s23], $0x20, s28, s23, $0xb8;
	[tilespmem:$0x10800] =	vst v63  }
0xd0: {  	_ = 	snop  }
0xd1: {  	[tilespmem:s9], [sflag:$0x1] =	stream.indirect.gather [hbm4b:s16+s23], $0x20, s29, s23, $0xb8;
	[tilespmem:$0x10800] =	vst v63  }
0xd2: {  	_ = 	snop  }
0xd3: {  	[tilespmem:s7], [sflag:$0x1] =	stream.indirect.gather [hbm4b:s16+s23], $0x20, s30, s23, $0xb8;
	[tilespmem:$0x10800] =	vst v63  }
0xd4: {  	_ = 	snop  }
0xd5: {  	[tilespmem:s8], [sflag:$0x1] =	stream.indirect.gather [hbm4b:s16+s23], $0x20, s31, s23, $0xb8;
	[tilespmem:$0x10800] =	vst v63  }
0xd6: {  	_ = 	snop  }
0xd7: {  	[tilespmem:s5], [sflag:$0x1] =	stream.indirect.gather [hbm4b:s16+s23], $0x20, s26, s23, $0xb8;
	[tilespmem:$0x10800] =	vst v63  }
0xd8: {  	_ =	swait.ge [sflag:s6], $0x1000  }
0xd9: {  	[sflag:s6] =	ssyncset.done $0x0  }
0xda: {  	[sflag:s6] =	ssyncadd.s32 $0xFFFFF000  }
0xdb: {  	[hbm4b:s4+s2] =	stream.linear.scatter [tilespmem:s22], [sflag:$0x2], $0x1000, $0x38;
	[tilespmem:$0x10800] =	vst v63  }
0xdc: {  	_ =	swait.ge [sflag:s6], $0x1000  }
0xdd: {  	[sflag:s6] =	ssyncset.done $0x0  }
0xde: {  	s25 =	rddreg [dreg:$0x4];
	[sflag:s6] =	ssyncadd.s32 $0xFFFFF000  }
0xdf: {  	[hbm4b:s25+s2] =	stream.linear.scatter [tilespmem:s21], [sflag:$0x2], $0x1000, $0x38;
	[tilespmem:$0x10800] =	vst v63  }
0xe0: {  	_ =	swait.ge [sflag:s6], $0x1000  }
0xe1: {  	[sflag:s6] =	ssyncset.done $0x0  }
0xe2: {  	s25 =	rddreg [dreg:$0x5];
	[sflag:s6] =	ssyncadd.s32 $0xFFFFF000  }
0xe3: {  	[hbm4b:s25+s2] =	stream.linear.scatter [tilespmem:s20], [sflag:$0x2], $0x1000, $0x38;
	[tilespmem:$0x10800] =	vst v63  }
0xe4: {  	_ =	swait.ge [sflag:s6], $0x1000  }
0xe5: {  	[sflag:s6] =	ssyncset.done $0x0  }
0xe6: {  	s25 =	rddreg [dreg:$0x6];
	[sflag:s6] =	ssyncadd.s32 $0xFFFFF000  }
0xe7: {  	[hbm4b:s25+s2] =	stream.linear.scatter [tilespmem:s19], [sflag:$0x2], $0x1000, $0x38;
	[tilespmem:$0x10800] =	vst v63  }
0xe8: {  	_ =	swait.ge [sflag:s6], $0x1000  }
0xe9: {  	[sflag:s6] =	ssyncset.done $0x0  }
0xea: {  	s25 =	rddreg [dreg:$0x7];
	[sflag:s6] =	ssyncadd.s32 $0xFFFFF000  }
0xeb: {  	[hbm4b:s25+s2] =	stream.linear.scatter [tilespmem:s18], [sflag:$0x2], $0x1000, $0x38;
	[tilespmem:$0x10800] =	vst v63  }
0xec: {  	_ =	swait.ge [sflag:s6], $0x1000  }
0xed: {  	[sflag:s6] =	ssyncset.done $0x0  }
0xee: {  	s25 =	rddreg [dreg:$0x8];
	[sflag:s6] =	ssyncadd.s32 $0xFFFFF000  }
0xef: {  	[hbm4b:s25+s2] =	stream.linear.scatter [tilespmem:s17], [sflag:$0x2], $0x1000, $0x38;
	[tilespmem:$0x10800] =	vst v63  }
0xf0: {  	_ =	swait.ge [sflag:s6], $0x1000  }
0xf1: {  	[sflag:s6] =	ssyncset.done $0x0  }
0xf2: {  	s25 =	rddreg [dreg:$0x9];
	[sflag:s6] =	ssyncadd.s32 $0xFFFFF000  }
0xf3: {  	[hbm4b:s25+s2] =	stream.linear.scatter [tilespmem:s15], [sflag:$0x2], $0x1000, $0x38;
	[tilespmem:$0x10800] =	vst v63  }
0xf4: {  	_ =	swait.ge [sflag:s6], $0x1000  }
0xf5: {  	[sflag:s6] =	ssyncset.done $0x0  }
0xf6: {  	s25 =	rddreg [dreg:$0xa];
	[sflag:s6] =	ssyncadd.s32 $0xFFFFF000  }
0xf7: {  	[hbm4b:s25+s2] =	stream.linear.scatter [tilespmem:s14], [sflag:$0x2], $0x1000, $0x38;
	[tilespmem:$0x10800] =	vst v63  }
0xf8: {  	_ =	swait.ge [sflag:s6], $0x1000  }
0xf9: {  	[sflag:s6] =	ssyncset.done $0x0  }
0xfa: {  	s25 =	rddreg [dreg:$0xb];
	[sflag:s6] =	ssyncadd.s32 $0xFFFFF000  }
0xfb: {  	[hbm4b:s25+s2] =	stream.linear.scatter [tilespmem:s13], [sflag:$0x2], $0x1000, $0x38;
	[tilespmem:$0x10800] =	vst v63  }
0xfc: {  	_ =	swait.ge [sflag:s6], $0x1000  }
0xfd: {  	[sflag:s6] =	ssyncset.done $0x0  }
0xfe: {  	s25 =	rddreg [dreg:$0xc];
	[sflag:s6] =	ssyncadd.s32 $0xFFFFF000  }
0xff: {  	[hbm4b:s25+s2] =	stream.linear.scatter [tilespmem:s12], [sflag:$0x2], $0x1000, $0x38;
	[tilespmem:$0x10800] =	vst v63  }
0x100: {  	_ =	swait.ge [sflag:s6], $0x1000  }
0x101: {  	[sflag:s6] =	ssyncset.done $0x0  }
0x102: {  	s25 =	rddreg [dreg:$0xd];
	[sflag:s6] =	ssyncadd.s32 $0xFFFFF000  }
0x103: {  	[hbm4b:s25+s2] =	stream.linear.scatter [tilespmem:s11], [sflag:$0x2], $0x1000, $0x38;
	[tilespmem:$0x10800] =	vst v63  }
0x104: {  	_ =	swait.ge [sflag:s6], $0x1000  }
0x105: {  	[sflag:s6] =	ssyncset.done $0x0  }
0x106: {  	s25 =	rddreg [dreg:$0xe];
	[sflag:s6] =	ssyncadd.s32 $0xFFFFF000  }
0x107: {  	[hbm4b:s25+s2] =	stream.linear.scatter [tilespmem:s10], [sflag:$0x2], $0x1000, $0x38;
	[tilespmem:$0x10800] =	vst v63  }
0x108: {  	_ =	swait.ge [sflag:s6], $0x1000  }
0x109: {  	[sflag:s6] =	ssyncset.done $0x0  }
0x10a: {  	s25 =	rddreg [dreg:$0xf];
	[sflag:s6] =	ssyncadd.s32 $0xFFFFF000  }
0x10b: {  	[hbm4b:s25+s2] =	stream.linear.scatter [tilespmem:s9], [sflag:$0x2], $0x1000, $0x38;
	[tilespmem:$0x10800] =	vst v63  }
0x10c: {  	_ =	swait.ge [sflag:s6], $0x1000  }
0x10d: {  	[sflag:s6] =	ssyncset.done $0x0  }
0x10e: {  	s25 =	rddreg [dreg:$0x10];
	[sflag:s6] =	ssyncadd.s32 $0xFFFFF000  }
0x10f: {  	[hbm4b:s25+s2] =	stream.linear.scatter [tilespmem:s7], [sflag:$0x2], $0x1000, $0x38;
	[tilespmem:$0x10800] =	vst v63  }
0x110: {  	_ =	swait.ge [sflag:s6], $0x1000  }
0x111: {  	[sflag:s6] =	ssyncset.done $0x0  }
0x112: {  	s25 =	rddreg [dreg:$0x11];
	[sflag:s6] =	ssyncadd.s32 $0xFFFFF000  }
0x113: {  	[hbm4b:s25+s2] =	stream.linear.scatter [tilespmem:s8], [sflag:$0x2], $0x1000, $0x38;
	[tilespmem:$0x10800] =	vst v63  }
0x114: {  	_ =	swait.ge [sflag:s6], $0x1000  }
0x115: {  	[sflag:s6] =	ssyncset.done $0x0  }
0x116: {  	s25 =	rddreg [dreg:$0x12];
	[sflag:s6] =	ssyncadd.s32 $0xFFFFF000  }
0x117: {  	[hbm4b:s25+s2] =	stream.linear.scatter [tilespmem:s5], [sflag:$0x2], $0x1000, $0x38;
	[tilespmem:$0x10800] =	vst v63  }
0x118: {  	_ =	swait.ge [sflag:s3], $0x1000  }
0x119: {  	[sflag:s3] =	ssyncset.done $0x0  }
0x11a: {  	[sflag:s3] =	ssyncadd.s32 $0xFFFFF000  }
0x11b: {  	_ =	swait.ge [sflag:s3], $0x1000  }
0x11c: {  	[sflag:s3] =	ssyncset.done $0x0  }
0x11d: {  	[sflag:s3] =	ssyncadd.s32 $0xFFFFF000  }
0x11e: {  	_ =	swait.ge [sflag:s3], $0x1000  }
0x11f: {  	[sflag:s3] =	ssyncset.done $0x0  }
0x120: {  	[sflag:s3] =	ssyncadd.s32 $0xFFFFF000  }
0x121: {  	_ =	swait.ge [sflag:s3], $0x1000  }
0x122: {  	[sflag:s3] =	ssyncset.done $0x0  }
0x123: {  	[sflag:s3] =	ssyncadd.s32 $0xFFFFF000  }
0x124: {  	_ =	swait.ge [sflag:s3], $0x1000  }
0x125: {  	[sflag:s3] =	ssyncset.done $0x0  }
0x126: {  	[sflag:s3] =	ssyncadd.s32 $0xFFFFF000  }
0x127: {  	_ =	swait.ge [sflag:s3], $0x1000  }
0x128: {  	[sflag:s3] =	ssyncset.done $0x0  }
0x129: {  	[sflag:s3] =	ssyncadd.s32 $0xFFFFF000  }
0x12a: {  	_ =	swait.ge [sflag:s3], $0x1000  }
0x12b: {  	[sflag:s3] =	ssyncset.done $0x0  }
0x12c: {  	[sflag:s3] =	ssyncadd.s32 $0xFFFFF000  }
0x12d: {  	_ =	swait.ge [sflag:s3], $0x1000  }
0x12e: {  	[sflag:s3] =	ssyncset.done $0x0  }
0x12f: {  	[sflag:s3] =	ssyncadd.s32 $0xFFFFF000  }
0x130: {  	_ =	swait.ge [sflag:s3], $0x1000  }
0x131: {  	[sflag:s3] =	ssyncset.done $0x0  }
0x132: {  	[sflag:s3] =	ssyncadd.s32 $0xFFFFF000  }
0x133: {  	_ =	swait.ge [sflag:s3], $0x1000  }
0x134: {  	[sflag:s3] =	ssyncset.done $0x0  }
0x135: {  	[sflag:s3] =	ssyncadd.s32 $0xFFFFF000  }
0x136: {  	_ =	swait.ge [sflag:s3], $0x1000  }
0x137: {  	[sflag:s3] =	ssyncset.done $0x0  }
0x138: {  	[sflag:s3] =	ssyncadd.s32 $0xFFFFF000  }
0x139: {  	_ =	swait.ge [sflag:s3], $0x1000  }
0x13a: {  	[sflag:s3] =	ssyncset.done $0x0  }
0x13b: {  	[sflag:s3] =	ssyncadd.s32 $0xFFFFF000  }
0x13c: {  	_ =	swait.ge [sflag:s3], $0x1000  }
0x13d: {  	[sflag:s3] =	ssyncset.done $0x0  }
0x13e: {  	[sflag:s3] =	ssyncadd.s32 $0xFFFFF000  }
0x13f: {  	_ =	swait.ge [sflag:s3], $0x1000  }
0x140: {  	[sflag:s3] =	ssyncset.done $0x0  }
0x141: {  	p1 =	sne.s32 s1, $0x1;
	[sflag:s3] =	ssyncadd.s32 $0xFFFFF000  }
.Ltmp2:
0x142: {  	_ =	swait.ge [sflag:s3], $0x1000;
	(pc) =	sbr.rel @p1 .LBB2_4-.Ltmp2, $4  }
0x143: {  	[sflag:s3] =	ssyncset.done $0x0  }
0x144: {  	[sflag:s3] =	ssyncadd.s32 $0xFFFFF000  }
0x145: {  	_ =	swait.ge [sflag:s3], $0x1000  }
0x146: {  	s1 =	sadd.s32 $0xFFFFFFFF, s1;
	s0 =	rddreg [dreg:$0x3];
	[sflag:s3] =	ssyncset.done $0x0  }
0x147: {  	s25 =	simm.s32 $0x780;
	s31 =	simm.s32 $0x700;
	s30 =	simm.s32 $0x680  }
0x148: {  	s29 =	simm.s32 $0x600;
	s28 =	simm.s32 $0x580;
	s26 =	simm.s32 $0x500  }
.LBB2_6:
0x149: {  	[sflag:s3] =	ssyncadd.s32 @p0 $0xFFFFF000  }
0x14a: {  	[tilespmem:s2], [sflag:$0x3] =	stream.linear.gather [hbm4b:s0+s2], $0x800, $0x38;
	[tilespmem:$0x10800] =	vst v63  }
0x14b: {  	_ =	swait.ge [sflag:s24], $0x800  }
0x14c: {  	[sflag:s24] =	ssyncset.done $0x0  }
0x14d: {  	[sflag:s24] =	ssyncadd.s32 $0xFFFFF800  }
0x14e: {  	[tilespmem:s22], [sflag:$0x1] =	stream.indirect.gather [hbm4b:s16+s23], $0x20, s2, s23, $0xb8;
	[tilespmem:$0x10800] =	vst v63  }
0x14f: {  	_ = 	snop  }
0x150: {  	[tilespmem:s21], [sflag:$0x1] =	stream.indirect.gather [hbm4b:s16+s23], $0x20, s23, s23, $0xb8;
	[tilespmem:$0x10800] =	vst v63  }
0x151: {  	s24 =	rddreg [dreg:$0x13]  }
0x152: {  	[tilespmem:s20], [sflag:$0x1] =	stream.indirect.gather [hbm4b:s16+s23], $0x20, s24, s23, $0xb8;
	[tilespmem:$0x10800] =	vst v63  }
0x153: {  	s1 =	rddreg [dreg:$0x14]  }
0x154: {  	[tilespmem:s19], [sflag:$0x1] =	stream.indirect.gather [hbm4b:s16+s23], $0x20, s1, s23, $0xb8;
	[tilespmem:$0x10800] =	vst v63  }
0x155: {  	s0 =	rddreg [dreg:$0x15]  }
0x156: {  	[tilespmem:s18], [sflag:$0x1] =	stream.indirect.gather [hbm4b:s16+s23], $0x20, s0, s23, $0xb8;
	[tilespmem:$0x10800] =	vst v63  }
0x157: {  	s24 =	rddreg [dreg:$0x16]  }
0x158: {  	[tilespmem:s17], [sflag:$0x1] =	stream.indirect.gather [hbm4b:s16+s23], $0x20, s24, s23, $0xb8;
	[tilespmem:$0x10800] =	vst v63  }
0x159: {  	s0 =	rddreg [dreg:$0x17]  }
0x15a: {  	[tilespmem:s15], [sflag:$0x1] =	stream.indirect.gather [hbm4b:s16+s23], $0x20, s0, s23, $0xb8;
	[tilespmem:$0x10800] =	vst v63  }
0x15b: {  	s24 =	rddreg [dreg:$0x18]  }
0x15c: {  	[tilespmem:s14], [sflag:$0x1] =	stream.indirect.gather [hbm4b:s16+s23], $0x20, s24, s23, $0xb8;
	[tilespmem:$0x10800] =	vst v63  }
0x15d: {  	s0 =	rddreg [dreg:$0x19]  }
0x15e: {  	[tilespmem:s13], [sflag:$0x1] =	stream.indirect.gather [hbm4b:s16+s23], $0x20, s0, s23, $0xb8;
	[tilespmem:$0x10800] =	vst v63  }
0x15f: {  	s24 =	rddreg [dreg:$0x1a]  }
0x160: {  	[tilespmem:s12], [sflag:$0x1] =	stream.indirect.gather [hbm4b:s16+s23], $0x20, s24, s23, $0xb8;
	[tilespmem:$0x10800] =	vst v63  }
0x161: {  	_ = 	snop  }
0x162: {  	[tilespmem:s11], [sflag:$0x1] =	stream.indirect.gather [hbm4b:s16+s23], $0x20, s26, s23, $0xb8;
	[tilespmem:$0x10800] =	vst v63  }
0x163: {  	_ = 	snop  }
0x164: {  	[tilespmem:s10], [sflag:$0x1] =	stream.indirect.gather [hbm4b:s16+s23], $0x20, s28, s23, $0xb8;
	[tilespmem:$0x10800] =	vst v63  }
0x165: {  	_ = 	snop  }
0x166: {  	[tilespmem:s9], [sflag:$0x1] =	stream.indirect.gather [hbm4b:s16+s23], $0x20, s29, s23, $0xb8;
	[tilespmem:$0x10800] =	vst v63  }
0x167: {  	_ = 	snop  }
0x168: {  	[tilespmem:s7], [sflag:$0x1] =	stream.indirect.gather [hbm4b:s16+s23], $0x20, s30, s23, $0xb8;
	[tilespmem:$0x10800] =	vst v63  }
0x169: {  	_ = 	snop  }
0x16a: {  	[tilespmem:s8], [sflag:$0x1] =	stream.indirect.gather [hbm4b:s16+s23], $0x20, s31, s23, $0xb8;
	[tilespmem:$0x10800] =	vst v63  }
0x16b: {  	_ = 	snop  }
0x16c: {  	[tilespmem:s5], [sflag:$0x1] =	stream.indirect.gather [hbm4b:s16+s23], $0x20, s25, s23, $0xb8;
	[tilespmem:$0x10800] =	vst v63  }
0x16d: {  	_ =	swait.ge [sflag:s6], $0x1000  }
0x16e: {  	[sflag:s6] =	ssyncset.done $0x0  }
0x16f: {  	[sflag:s6] =	ssyncadd.s32 $0xFFFFF000  }
0x170: {  	[hbm4b:s4+s2] =	stream.linear.scatter [tilespmem:s22], [sflag:$0x2], $0x1000, $0x38;
	[tilespmem:$0x10800] =	vst v63  }
0x171: {  	_ =	swait.ge [sflag:s6], $0x1000  }
0x172: {  	[sflag:s6] =	ssyncset.done $0x0  }
0x173: {  	s31 =	rddreg [dreg:$0x4];
	[sflag:s6] =	ssyncadd.s32 $0xFFFFF000  }
0x174: {  	[hbm4b:s31+s2] =	stream.linear.scatter [tilespmem:s21], [sflag:$0x2], $0x1000, $0x38;
	[tilespmem:$0x10800] =	vst v63  }
0x175: {  	_ =	swait.ge [sflag:s6], $0x1000  }
0x176: {  	[sflag:s6] =	ssyncset.done $0x0  }
0x177: {  	s1 =	rddreg [dreg:$0x5];
	[sflag:s6] =	ssyncadd.s32 $0xFFFFF000  }
0x178: {  	[hbm4b:s1+s2] =	stream.linear.scatter [tilespmem:s20], [sflag:$0x2], $0x1000, $0x38;
	[tilespmem:$0x10800] =	vst v63  }
0x179: {  	_ =	swait.ge [sflag:s6], $0x1000  }
0x17a: {  	[sflag:s6] =	ssyncset.done $0x0  }
0x17b: {  	s4 =	rddreg [dreg:$0x6];
	[sflag:s6] =	ssyncadd.s32 $0xFFFFF000  }
0x17c: {  	[hbm4b:s4+s2] =	stream.linear.scatter [tilespmem:s19], [sflag:$0x2], $0x1000, $0x38;
	[tilespmem:$0x10800] =	vst v63  }
0x17d: {  	_ =	swait.ge [sflag:s6], $0x1000  }
0x17e: {  	[sflag:s6] =	ssyncset.done $0x0  }
0x17f: {  	s16 =	rddreg [dreg:$0x7];
	[sflag:s6] =	ssyncadd.s32 $0xFFFFF000  }
0x180: {  	[hbm4b:s16+s2] =	stream.linear.scatter [tilespmem:s18], [sflag:$0x2], $0x1000, $0x38;
	[tilespmem:$0x10800] =	vst v63  }
0x181: {  	_ =	swait.ge [sflag:s6], $0x1000  }
0x182: {  	[sflag:s6] =	ssyncset.done $0x0  }
0x183: {  	s19 =	rddreg [dreg:$0x8];
	[sflag:s6] =	ssyncadd.s32 $0xFFFFF000  }
0x184: {  	[hbm4b:s19+s2] =	stream.linear.scatter [tilespmem:s17], [sflag:$0x2], $0x1000, $0x38;
	[tilespmem:$0x10800] =	vst v63  }
0x185: {  	_ =	swait.ge [sflag:s6], $0x1000  }
0x186: {  	[sflag:s6] =	ssyncset.done $0x0  }
0x187: {  	s20 =	rddreg [dreg:$0x9];
	[sflag:s6] =	ssyncadd.s32 $0xFFFFF000  }
0x188: {  	[hbm4b:s20+s2] =	stream.linear.scatter [tilespmem:s15], [sflag:$0x2], $0x1000, $0x38;
	[tilespmem:$0x10800] =	vst v63  }
0x189: {  	_ =	swait.ge [sflag:s6], $0x1000  }
0x18a: {  	[sflag:s6] =	ssyncset.done $0x0  }
0x18b: {  	s21 =	rddreg [dreg:$0xa];
	[sflag:s6] =	ssyncadd.s32 $0xFFFFF000  }
0x18c: {  	[hbm4b:s21+s2] =	stream.linear.scatter [tilespmem:s14], [sflag:$0x2], $0x1000, $0x38;
	[tilespmem:$0x10800] =	vst v63  }
0x18d: {  	_ =	swait.ge [sflag:s6], $0x1000  }
0x18e: {  	[sflag:s6] =	ssyncset.done $0x0  }
0x18f: {  	s22 =	rddreg [dreg:$0xb];
	[sflag:s6] =	ssyncadd.s32 $0xFFFFF000  }
0x190: {  	[hbm4b:s22+s2] =	stream.linear.scatter [tilespmem:s13], [sflag:$0x2], $0x1000, $0x38;
	[tilespmem:$0x10800] =	vst v63  }
0x191: {  	_ =	swait.ge [sflag:s6], $0x1000  }
0x192: {  	[sflag:s6] =	ssyncset.done $0x0  }
0x193: {  	s23 =	rddreg [dreg:$0xc];
	[sflag:s6] =	ssyncadd.s32 $0xFFFFF000  }
0x194: {  	[hbm4b:s23+s2] =	stream.linear.scatter [tilespmem:s12], [sflag:$0x2], $0x1000, $0x38;
	[tilespmem:$0x10800] =	vst v63  }
0x195: {  	_ =	swait.ge [sflag:s6], $0x1000  }
0x196: {  	[sflag:s6] =	ssyncset.done $0x0  }
0x197: {  	s24 =	rddreg [dreg:$0xd];
	[sflag:s6] =	ssyncadd.s32 $0xFFFFF000  }
0x198: {  	[hbm4b:s24+s2] =	stream.linear.scatter [tilespmem:s11], [sflag:$0x2], $0x1000, $0x38;
	[tilespmem:$0x10800] =	vst v63  }
0x199: {  	_ =	swait.ge [sflag:s6], $0x1000  }
0x19a: {  	[sflag:s6] =	ssyncset.done $0x0  }
0x19b: {  	s25 =	rddreg [dreg:$0xe];
	[sflag:s6] =	ssyncadd.s32 $0xFFFFF000  }
0x19c: {  	[hbm4b:s25+s2] =	stream.linear.scatter [tilespmem:s10], [sflag:$0x2], $0x1000, $0x38;
	[tilespmem:$0x10800] =	vst v63  }
0x19d: {  	_ =	swait.ge [sflag:s6], $0x1000  }
0x19e: {  	[sflag:s6] =	ssyncset.done $0x0  }
0x19f: {  	s26 =	rddreg [dreg:$0xf];
	[sflag:s6] =	ssyncadd.s32 $0xFFFFF000  }
0x1a0: {  	[hbm4b:s26+s2] =	stream.linear.scatter [tilespmem:s9], [sflag:$0x2], $0x1000, $0x38;
	[tilespmem:$0x10800] =	vst v63  }
0x1a1: {  	_ =	swait.ge [sflag:s6], $0x1000  }
0x1a2: {  	[sflag:s6] =	ssyncset.done $0x0  }
0x1a3: {  	s28 =	rddreg [dreg:$0x10];
	[sflag:s6] =	ssyncadd.s32 $0xFFFFF000  }
0x1a4: {  	[hbm4b:s28+s2] =	stream.linear.scatter [tilespmem:s7], [sflag:$0x2], $0x1000, $0x38;
	[tilespmem:$0x10800] =	vst v63  }
0x1a5: {  	_ =	swait.ge [sflag:s6], $0x1000  }
0x1a6: {  	[sflag:s6] =	ssyncset.done $0x0  }
0x1a7: {  	s29 =	rddreg [dreg:$0x11];
	[sflag:s6] =	ssyncadd.s32 $0xFFFFF000  }
0x1a8: {  	[hbm4b:s29+s2] =	stream.linear.scatter [tilespmem:s8], [sflag:$0x2], $0x1000, $0x38;
	[tilespmem:$0x10800] =	vst v63  }
0x1a9: {  	_ =	swait.ge [sflag:s6], $0x1000  }
0x1aa: {  	[sflag:s6] =	ssyncset.done $0x0  }
0x1ab: {  	s30 =	rddreg [dreg:$0x12];
	[sflag:s6] =	ssyncadd.s32 $0xFFFFF000  }
0x1ac: {  	[hbm4b:s30+s2] =	stream.linear.scatter [tilespmem:s5], [sflag:$0x2], $0x1000, $0x38;
	[tilespmem:$0x10800] =	vst v63  }
0x1ad: {  	_ =	swait.ge [sflag:s3], $0x1000  }
0x1ae: {  	[sflag:s3] =	ssyncset.done $0x0  }
0x1af: {  	[sflag:s3] =	ssyncadd.s32 $0xFFFFF000  }
0x1b0: {  	_ =	swait.ge [sflag:s3], $0x1000  }
0x1b1: {  	[sflag:s3] =	ssyncset.done $0x0  }
0x1b2: {  	[sflag:s3] =	ssyncadd.s32 $0xFFFFF000  }
0x1b3: {  	_ =	swait.ge [sflag:s3], $0x1000  }
0x1b4: {  	[sflag:s3] =	ssyncset.done $0x0  }
0x1b5: {  	[sflag:s3] =	ssyncadd.s32 $0xFFFFF000  }
0x1b6: {  	_ =	swait.ge [sflag:s3], $0x1000  }
0x1b7: {  	[sflag:s3] =	ssyncset.done $0x0  }
0x1b8: {  	[sflag:s3] =	ssyncadd.s32 $0xFFFFF000  }
0x1b9: {  	_ =	swait.ge [sflag:s3], $0x1000  }
0x1ba: {  	[sflag:s3] =	ssyncset.done $0x0  }
0x1bb: {  	[sflag:s3] =	ssyncadd.s32 $0xFFFFF000  }
0x1bc: {  	_ =	swait.ge [sflag:s3], $0x1000  }
0x1bd: {  	[sflag:s3] =	ssyncset.done $0x0  }
0x1be: {  	[sflag:s3] =	ssyncadd.s32 $0xFFFFF000  }
0x1bf: {  	_ =	swait.ge [sflag:s3], $0x1000  }
0x1c0: {  	[sflag:s3] =	ssyncset.done $0x0  }
0x1c1: {  	[sflag:s3] =	ssyncadd.s32 $0xFFFFF000  }
0x1c2: {  	_ =	swait.ge [sflag:s3], $0x1000  }
0x1c3: {  	[sflag:s3] =	ssyncset.done $0x0  }
0x1c4: {  	[sflag:s3] =	ssyncadd.s32 $0xFFFFF000  }
0x1c5: {  	_ =	swait.ge [sflag:s3], $0x1000  }
0x1c6: {  	[sflag:s3] =	ssyncset.done $0x0  }
0x1c7: {  	[sflag:s3] =	ssyncadd.s32 $0xFFFFF000  }
0x1c8: {  	_ =	swait.ge [sflag:s3], $0x1000  }
0x1c9: {  	[sflag:s3] =	ssyncset.done $0x0  }
0x1ca: {  	[sflag:s3] =	ssyncadd.s32 $0xFFFFF000  }
0x1cb: {  	_ =	swait.ge [sflag:s3], $0x1000  }
0x1cc: {  	[sflag:s3] =	ssyncset.done $0x0  }
0x1cd: {  	[sflag:s3] =	ssyncadd.s32 $0xFFFFF000  }
0x1ce: {  	_ =	swait.ge [sflag:s3], $0x1000  }
0x1cf: {  	[sflag:s3] =	ssyncset.done $0x0  }
0x1d0: {  	[sflag:s3] =	ssyncadd.s32 $0xFFFFF000  }
0x1d1: {  	_ =	swait.ge [sflag:s3], $0x1000  }
0x1d2: {  	[sflag:s3] =	ssyncset.done $0x0  }
0x1d3: {  	[sflag:s3] =	ssyncadd.s32 $0xFFFFF000  }
0x1d4: {  	_ =	swait.ge [sflag:s3], $0x1000  }
0x1d5: {  	[sflag:s3] =	ssyncset.done $0x0  }
0x1d6: {  	[sflag:s3] =	ssyncadd.s32 $0xFFFFF000  }
0x1d7: {  	_ =	swait.ge [sflag:s3], $0x1000  }
0x1d8: {  	[sflag:s3] =	ssyncset.done $0x0  }
0x1d9: {  	[sflag:s3] =	ssyncadd.s32 $0xFFFFF000  }
0x1da: {  	_ =	swait.ge [sflag:s3], $0x1000  }
0x1db: {  	[sflag:s3] =	ssyncset.done $0x0  }
0x1dc: {  	[sflag:s3] =	ssyncadd.s32 $0xFFFFF000  }
0x1dd: {  	_ =	sfence.sel $0x180000  }
0x1de: {  	[bflag:$0x0] =	sbarrier.arrive $0xFFFF  }
0x1df: {  	_ =	strace $0x90000047  }
0x1e0: {  	s31 =	stileid.u32;
	[bflag:$0x2] =	sbarrier.arrive $0xFFFF  }
0x1e1: {  	p0 =	sne.s32 s31, $0x0;
	s0 =	rddreg [dreg:$0x2]  }
0x1e2: {  	s0 =	sadd.s32 @!p0 $0x100000, s0  }
0x1e3: {  	[sflag:s0] =	ssyncadd.tile.s32 @!p0 $0x1;
	_ =	shalt  }
.LBB2_1:
.Ltmp3:
0x1e4: {  	(pc) =	sbr.rel .LBB2_6-.Ltmp3, $3  }
0x1e5: {  	_ =	sdelay $0x1  }
0x1e6: {  	s25 =	simm.s32 $0x780;
	s31 =	simm.s32 $0x700;
	s30 =	simm.s32 $0x680  }
0x1e7: {  	s29 =	simm.s32 $0x600;
	s28 =	simm.s32 $0x580;
	s26 =	simm.s32 $0x500  }
.LBB2_3:
.Ltmp4:
0x1e8: {  	(pc) =	sbr.rel .LBB2_6-.Ltmp4, $3  }
0x1e9: {  	_ =	sdelay $0x1  }
0x1ea: {  	s25 =	simm.s32 $0x780;
	s31 =	simm.s32 $0x700;
	s30 =	simm.s32 $0x680  }
0x1eb: {  	s29 =	simm.s32 $0x600;
	s28 =	simm.s32 $0x580;
	s26 =	simm.s32 $0x500  }
.Lfunc_end2:
_tile_overlayer_lowered:
.L_overlay_start_2:
0x1ec: {  	(tag) =	ssettag $0x2  }
0x1ed: {  	s0 =	rddreg [dreg:$0x0];
	s2 =	stileid.u32  }
0x1ee: {  	s1 =	rddreg [dreg:$0x1];
	p0 =	sne.s32 s2, $0x0  }
0x1ef: {  	s3 =	rddreg [dreg:$0x2];
	[bflag:$0x3] =	sbarrier.arrive $0xFFFF;
	s2 =	simm.s32 @!p0 $0x1C03  }
0x1f0: {  	[timem:s3], [sflag:s2] =	dma.local @!p0 [hbm:s0], s1  }
0x1f1: {  	s0 =	simm.s32 @!p0 $0x3  }
0x1f2: {  	_ =	swait.ge @!p0 [sflag:s0], s1  }
0x1f3: {  	s1 =	ssub.s32 @!p0 $0x0, s1;
	[sflag:s0] =	ssyncset.done @!p0 $0x0  }
0x1f4: {  	[sflag:s0] =	ssyncadd.s32 @!p0 s1  }
0x1f5: {  	[bflag:$0x3] =	sbarrier.arrive $0xFFFF  }
0x1f6: {  	_ =	shalt  }

</sc_bundles>
